<compile_context>
chip_gen: v7x
topology: tpu7x:2x2x1
jax: 0.10.2.dev20260603
libtpu: 0.0.44.dev20260713+nightly
codegen_flags: <defaults>
</compile_context>

<pallas_src>
import jax
import jax.numpy as jnp
from jax import lax
from jax.experimental import pallas as pl
from jax.experimental.pallas import tpu as pltpu
from jax.experimental.pallas import tpu_sc as plsc

N = 10000
E = 320000
F_IN = 128
H = 64

NC = 2
NS = 16
NW = NC * NS

C = 128
NCH = E // C
CPW = NCH // NW
XTRA = NCH - CPW * NW
MCH = CPW + 1

N_PAD = 10112
RPT = N_PAD // NS
GPT = N // NS
ZR = RPT // 4
DW = 16

_MESH = plsc.VectorSubcoreMesh(core_axis_name="c", subcore_axis_name="s")


def _stage_idx(e3_hbm, row, idx_v, base, extra):
    pltpu.sync_copy(e3_hbm.at[row, pl.ds(base, CPW)], idx_v.at[pl.ds(0, CPW)])

    @pl.when(extra)
    def _():
        pltpu.sync_copy(e3_hbm.at[row, pl.ds(base + CPW, 1)],
                        idx_v.at[pl.ds(CPW, 1)])


def _deg_body(e3_hbm, zeros_hbm, ones_hbm, degp_hbm, dst_v, ones_v, deg_sh):
    c = lax.axis_index("c")
    s = lax.axis_index("s")
    w = c * NS + s
    base = w * CPW + jnp.minimum(w, XTRA)
    extra = w < XTRA
    _stage_idx(e3_hbm, 1, dst_v, base, extra)
    pltpu.sync_copy(ones_hbm, ones_v)
    pltpu.sync_copy(zeros_hbm.at[pl.ds(s * RPT, RPT)], deg_sh.at[pl.ds(s * RPT, RPT)])
    plsc.subcore_barrier()

    @pl.loop(0, CPW)
    def _chunk(i):
        pltpu.sync_copy(ones_v, deg_sh.at[dst_v.at[i]], add=True)

    @pl.when(extra)
    def _():
        pltpu.sync_copy(ones_v, deg_sh.at[dst_v.at[CPW]], add=True)

    plsc.subcore_barrier()
    pltpu.sync_copy(deg_sh.at[pl.ds(s * RPT, RPT)],
                    degp_hbm.at[c, pl.ds(s * RPT, RPT)])


_deg_call = pl.kernel(
    _deg_body,
    out_type=jax.ShapeDtypeStruct((NC, N_PAD, DW), jnp.int16),
    mesh=_MESH,
    scratch_types=[
        pltpu.VMEM((MCH, C), jnp.int32),
        pltpu.VMEM((C, DW), jnp.int16),
        pltpu.VMEM_SHARED((N_PAD, DW), jnp.int16),
    ],
    compiler_params=pltpu.CompilerParams(use_tc_tiling_on_sc=False),
)


def _scat_body(g_hbm, e3_hbm, accp_hbm,
               src_v, dst_v, rows, zbuf, g_sh, acc_sh, sems):
    c = lax.axis_index("c")
    s = lax.axis_index("s")
    w = c * NS + s
    base = w * CPW + jnp.minimum(w, XTRA)
    extra = w < XTRA
    count = CPW + extra.astype(jnp.int32)
    _stage_idx(e3_hbm, 0, src_v, base, extra)
    _stage_idx(e3_hbm, 1, dst_v, base, extra)
    gstage = pltpu.async_copy(g_hbm.at[pl.ds(s * GPT, GPT)],
                              g_sh.at[pl.ds(s * GPT, GPT)], sems[0])

    z16 = jnp.zeros((16,), jnp.float32)

    @pl.loop(0, ZR)
    def _zfill(r):
        for q in range(H // 16):
            zbuf[r, pl.ds(16 * q, 16)] = z16

    for k in range(4):
        pltpu.sync_copy(zbuf, acc_sh.at[pl.ds(s * RPT + k * ZR, ZR)])
    gstage.wait()
    plsc.subcore_barrier()

    for b in range(2):
        pltpu.async_copy(g_sh.at[src_v.at[b]], rows[b], sems[b])

    @pl.loop(0, CPW // 2)
    def _pair(j):
        i0 = 2 * j
        for b in range(2):
            i = i0 + b
            pltpu.make_async_copy(g_sh.at[src_v.at[i]], rows[b], sems[b]).wait()
            pltpu.sync_copy(rows[b], acc_sh.at[dst_v.at[i]], add=True)

            @pl.when(i + 2 < count)
            def _():
                pltpu.async_copy(g_sh.at[src_v.at[i + 2]], rows[b], sems[b])

    @pl.when(extra)
    def _():
        pltpu.make_async_copy(g_sh.at[src_v.at[CPW]], rows[0], sems[0]).wait()
        pltpu.sync_copy(rows[0], acc_sh.at[dst_v.at[CPW]], add=True)

    plsc.subcore_barrier()
    pltpu.sync_copy(acc_sh.at[pl.ds(s * RPT, RPT)],
                    accp_hbm.at[c, pl.ds(s * RPT, RPT)])


_scat_call = pl.kernel(
    _scat_body,
    out_type=jax.ShapeDtypeStruct((NC, N_PAD, H), jnp.float32),
    mesh=_MESH,
    scratch_types=[
        pltpu.VMEM((MCH, C), jnp.int32),
        pltpu.VMEM((MCH, C), jnp.int32),
        [pltpu.VMEM((C, H), jnp.float32) for _ in range(2)],
        pltpu.VMEM((ZR, H), jnp.float32),
        pltpu.VMEM_SHARED((N, H), jnp.float32),
        pltpu.VMEM_SHARED((N_PAD, H), jnp.float32),
        [pltpu.SemaphoreType.DMA for _ in range(2)],
    ],
    compiler_params=pltpu.CompilerParams(use_tc_tiling_on_sc=False),
)


def _tch_body(x_ref, w1_ref, h_ref):
    h_ref[...] = jnp.dot(x_ref[...], w1_ref[...],
                         preferred_element_type=jnp.float32)


_tch_call = pl.pallas_call(
    _tch_body,
    out_shape=jax.ShapeDtypeStruct((N, H), jnp.float32),
)


def _tcg_body(h_ref, degp_ref, g_ref, dinv_ref):
    deg = (degp_ref[0, 0:N, 0] + degp_ref[1, 0:N, 0]).astype(jnp.float32) + 1.0
    dinv = lax.rsqrt(deg)
    g_ref[...] = h_ref[...] * dinv[:, None]
    dinv_ref[...] = dinv[:, None]


_tcg_call = pl.pallas_call(
    _tcg_body,
    out_shape=[
        jax.ShapeDtypeStruct((N, H), jnp.float32),
        jax.ShapeDtypeStruct((N, 1), jnp.float32),
    ],
)


def _tc2_body(accp_ref, g_ref, dinv_ref, b1_ref, w2_ref, b2_ref, out_ref):
    ssum = accp_ref[0, 0:N, :] + accp_ref[1, 0:N, :] + g_ref[...]
    act = jnp.maximum(dinv_ref[...] * ssum + b1_ref[...], 0.0)
    out_ref[...] = (
        jnp.dot(act, w2_ref[...], preferred_element_type=jnp.float32) + b2_ref[...]
    )


_tc2_call = pl.pallas_call(
    _tc2_body,
    out_shape=jax.ShapeDtypeStruct((N, 1), jnp.float32),
)


def kernel(x, edge_index, W1, b1, W2, b2):
    e3 = edge_index.reshape(2, NCH, C)
    zeros_deg = jnp.zeros((N_PAD, DW), jnp.int16)
    ones_c = jnp.ones((C, DW), jnp.int16)

    h = _tch_call(x, W1)
    degp = _deg_call(e3, zeros_deg, ones_c)
    g, dinv = _tcg_call(h, degp)
    accp = _scat_call(g, e3)
    return _tc2_call(accp, g, dinv, b1.reshape(1, H), W2, b2.reshape(1, 1))

# --- scband reference (transcript-rebuilt; emitter-appended) ---
"""Pipeline reference for scband-critic-gcn-54709293417099 (READ-ONLY COPY).

The authoritative reference and input builder live on the scoring server;
editing this copy changes nothing except your own understanding.
"""

import jax, jax.numpy as jnp
import numpy as np

N = 10000
E = 320000
F_IN = 128
H = 64


def setup_inputs(seed: int = 0) -> dict:
    key = jax.random.key(seed)
    k1, k2, k3, k4 = jax.random.split(key, 4)
    x = jax.random.normal(k1, (N, F_IN), dtype=jnp.float32)
    edge_index = jax.random.randint(k2, (2, E), 0, N, dtype=jnp.int32)
    # GCNConv weight [F_IN, H] + bias [H]
    W1 = jax.random.normal(k3, (F_IN, H), dtype=jnp.float32) * (1.0 / np.sqrt(F_IN))
    b1 = jnp.zeros((H,), dtype=jnp.float32)
    # Linear head [H, 1] + bias [1]
    W2 = jax.random.normal(k4, (H, 1), dtype=jnp.float32) * (1.0 / np.sqrt(H))
    b2 = jnp.zeros((1,), dtype=jnp.float32)
    return {"x": x, "edge_index": edge_index, "W1": W1, "b1": b1, "W2": W2, "b2": b2}


def _gcn_conv(x, edge_index, W, b):
    # PyG GCNConv with normalize=True, add_self_loops=True, bias=True
    n = x.shape[0]
    sl = jnp.arange(n, dtype=edge_index.dtype)
    src = jnp.concatenate([edge_index[0], sl])
    dst = jnp.concatenate([edge_index[1], sl])
    h = x @ W
    deg = jnp.zeros((n,), dtype=x.dtype).at[dst].add(1.0)
    dinv = jnp.where(deg > 0, jax.lax.rsqrt(deg), 0.0)
    norm = dinv[src] * dinv[dst]
    msg = h[src] * norm[:, None]
    out = jnp.zeros((n, h.shape[1]), dtype=x.dtype).at[dst].add(msg)
    return out + b


def reference(x, edge_index, W1, b1, W2, b2):
    h = _gcn_conv(x, edge_index, W1, b1)
    h = jax.nn.relu(h)
    # F.dropout in eval / deterministic reference -> identity
    out = h @ W2 + b2
    return out

if __name__ == "__main__":
    import jax
    _d = setup_inputs()
    print(jax.jit(kernel)(*tuple(_d.values())))

</pallas_src>

<mosaic_0001>
#map = affine_map<(d0, d1) -> (0, 0)>
#map1 = affine_map<(d0, d1) -> (0, 0, 0)>
module attributes {stable_mosaic.version = 14 : i64} {
  func.func @_scat_body(%arg0: i32, %arg1: i32, %arg2: memref<10000x64xf32, #tpu.memory_space<hbm>>, %arg3: memref<2x2500x128xi32, #tpu.memory_space<hbm>>, %arg4: memref<2x10112x64xf32, #tpu.memory_space<hbm>>, %arg5: memref<79x128xi32, #tpu.memory_space<vmem>>, %arg6: memref<79x128xi32, #tpu.memory_space<vmem>>, %arg7: memref<128x64xf32, #tpu.memory_space<vmem>>, %arg8: memref<128x64xf32, #tpu.memory_space<vmem>>, %arg9: memref<158x64xf32, #tpu.memory_space<vmem>>, %arg10: memref<10000x64xf32, #tpu.memory_space<vmem_shared>>, %arg11: memref<10112x64xf32, #tpu.memory_space<vmem_shared>>, %arg12: memref<!tpu.dma_semaphore, #tpu.memory_space<semaphore_mem>>, %arg13: memref<!tpu.dma_semaphore, #tpu.memory_space<semaphore_mem>>) attributes {dimension_semantics = [#tpu.dimension_semantics<core_parallel>, #tpu.dimension_semantics<subcore_parallel>], iteration_bounds = array<i64: 2, 16>, scalar_prefetch = 0 : i64, scratch_operands = 9 : i64, tpu.core_type = #tpu.core_type<sc_vector_subcore>, window_params = [{transform_indices = #map}, {transform_indices = #map1}, {transform_indices = #map1}]} {
    %mul3A = arith.constant 16 : i32
    %mul3A_0 = arith.muli %arg0, %mul3A : i32
    %add3A = arith.addi %mul3A_0, %arg1 : i32
    %mul3A_1 = arith.constant 78 : i32
    %mul3A_2 = arith.muli %add3A, %mul3A_1 : i32
    %min3A = arith.constant 4 : i32
    %min3A_3 = arith.minsi %add3A, %min3A : i32
    %add3A_4 = arith.addi %mul3A_2, %min3A_3 : i32
    %lt3A = arith.constant 4 : i32
    %lt3A_5 = arith.cmpi slt, %add3A, %lt3A : i32
    %convert_element_type3A = arith.extui %lt3A_5 : i1 to i32
    %add3A_6 = arith.constant 78 : i32
    %add3A_7 = arith.addi %add3A_6, %convert_element_type3A : i32
    %run_scoped3A = arith.constant 0 : i32
    "tpu.region"() ({
      %run_scoped3A_72 = tpu.sem_alloc : memref<!tpu.dma_semaphore, #tpu.memory_space<semaphore_mem>>
      %dma_start3A_73 = arith.constant 0 : i32
      %dma_start3A_74 = arith.constant 0 : i32
      %dma_start3A_75 = tpu.memref_slice %arg5[%dma_start3A_73, %dma_start3A_74] : memref<79x128xi32, #tpu.memory_space<vmem>> -> memref<78x128xi32, #tpu.memory_space<vmem>>
      %dma_start3A_76 = arith.constant 0 : i32
      %dma_start3A_77 = tpu.memref_slice %arg3[%run_scoped3A, %add3A_4, %dma_start3A_76] : memref<2x2500x128xi32, #tpu.memory_space<hbm>> -> memref<1x78x128xi32, #tpu.memory_space<hbm>>
      %dma_start3A_78 = tpu.memref_squeeze %dma_start3A_77 : memref<1x78x128xi32, #tpu.memory_space<hbm>> -> memref<78x128xi32, #tpu.memory_space<hbm>>
      %dma_start3A_79 = arith.constant 0 : i32
      %dma_start3A_80 = arith.constant 0 : i32
      %dma_start3A_81 = tpu.memref_slice %arg5[%dma_start3A_79, %dma_start3A_80] : memref<79x128xi32, #tpu.memory_space<vmem>> -> memref<78x128xi32, #tpu.memory_space<vmem>>
      %dma_start3A_82 = arith.constant 0 : i32
      %dma_start3A_83 = tpu.memref_slice %arg3[%run_scoped3A, %add3A_4, %dma_start3A_82] : memref<2x2500x128xi32, #tpu.memory_space<hbm>> -> memref<1x78x128xi32, #tpu.memory_space<hbm>>
      %dma_start3A_84 = tpu.memref_squeeze %dma_start3A_83 : memref<1x78x128xi32, #tpu.memory_space<hbm>> -> memref<78x128xi32, #tpu.memory_space<hbm>>
      tpu.enqueue_dma source(%dma_start3A_84 : memref<78x128xi32, #tpu.memory_space<hbm>>) target(%dma_start3A_81 : memref<78x128xi32, #tpu.memory_space<vmem>>) target_semaphore(%run_scoped3A_72 : memref<!tpu.dma_semaphore, #tpu.memory_space<semaphore_mem>>)
      %dma_wait3A_85 = arith.constant 0 : i32
      %dma_wait3A_86 = arith.constant 0 : i32
      %dma_wait3A_87 = tpu.memref_slice %arg5[%dma_wait3A_85, %dma_wait3A_86] : memref<79x128xi32, #tpu.memory_space<vmem>> -> memref<78x128xi32, #tpu.memory_space<vmem>>
      %dma_wait3A_88 = arith.constant 0 : i32
      %dma_wait3A_89 = tpu.memref_slice %arg3[%run_scoped3A, %add3A_4, %dma_wait3A_88] : memref<2x2500x128xi32, #tpu.memory_space<hbm>> -> memref<1x78x128xi32, #tpu.memory_space<hbm>>
      %dma_wait3A_90 = tpu.memref_squeeze %dma_wait3A_89 : memref<1x78x128xi32, #tpu.memory_space<hbm>> -> memref<78x128xi32, #tpu.memory_space<hbm>>
      %dma_wait3A_91 = arith.constant 0 : i32
      %dma_wait3A_92 = arith.constant 0 : i32
      %dma_wait3A_93 = tpu.memref_slice %arg5[%dma_wait3A_91, %dma_wait3A_92] : memref<79x128xi32, #tpu.memory_space<vmem>> -> memref<78x128xi32, #tpu.memory_space<vmem>>
      %dma_wait3A_94 = arith.constant 0 : i32
      %dma_wait3A_95 = tpu.memref_slice %arg3[%run_scoped3A, %add3A_4, %dma_wait3A_94] : memref<2x2500x128xi32, #tpu.memory_space<hbm>> -> memref<1x78x128xi32, #tpu.memory_space<hbm>>
      %dma_wait3A_96 = tpu.memref_squeeze %dma_wait3A_95 : memref<1x78x128xi32, #tpu.memory_space<hbm>> -> memref<78x128xi32, #tpu.memory_space<hbm>>
      tpu.wait_dma2 semaphore(%run_scoped3A_72 : memref<!tpu.dma_semaphore, #tpu.memory_space<semaphore_mem>>) src(%dma_wait3A_96 : memref<78x128xi32, #tpu.memory_space<hbm>>) dst(%dma_wait3A_93 : memref<78x128xi32, #tpu.memory_space<vmem>>)
      tpu.yield
    }) : () -> ()
    %convert_element_type3A_8 = arith.extui %lt3A_5 : i1 to i32
    %cond3A = arith.constant 0 : i32
    %cond3A_9 = arith.cmpi ne, %convert_element_type3A_8, %cond3A : i32
    scf.if %cond3A_9 {
      %add3A_72 = arith.constant 78 : i32
      %add3A_73 = arith.addi %add3A_4, %add3A_72 : i32
      %run_scoped3A_74 = arith.constant 0 : i32
      "tpu.region"() ({
        %run_scoped3A_75 = tpu.sem_alloc : memref<!tpu.dma_semaphore, #tpu.memory_space<semaphore_mem>>
        %dma_start3A_76 = arith.constant 78 : i32
        %dma_start3A_77 = arith.constant 0 : i32
        %dma_start3A_78 = tpu.memref_slice %arg5[%dma_start3A_76, %dma_start3A_77] : memref<79x128xi32, #tpu.memory_space<vmem>> -> memref<1x128xi32, #tpu.memory_space<vmem>>
        %dma_start3A_79 = arith.constant 0 : i32
        %dma_start3A_80 = tpu.memref_slice %arg3[%run_scoped3A_74, %add3A_73, %dma_start3A_79] : memref<2x2500x128xi32, #tpu.memory_space<hbm>> -> memref<1x1x128xi32, #tpu.memory_space<hbm>>
        %dma_start3A_81 = tpu.memref_squeeze %dma_start3A_80 : memref<1x1x128xi32, #tpu.memory_space<hbm>> -> memref<1x128xi32, #tpu.memory_space<hbm>>
        %dma_start3A_82 = arith.constant 78 : i32
        %dma_start3A_83 = arith.constant 0 : i32
        %dma_start3A_84 = tpu.memref_slice %arg5[%dma_start3A_82, %dma_start3A_83] : memref<79x128xi32, #tpu.memory_space<vmem>> -> memref<1x128xi32, #tpu.memory_space<vmem>>
        %dma_start3A_85 = arith.constant 0 : i32
        %dma_start3A_86 = tpu.memref_slice %arg3[%run_scoped3A_74, %add3A_73, %dma_start3A_85] : memref<2x2500x128xi32, #tpu.memory_space<hbm>> -> memref<1x1x128xi32, #tpu.memory_space<hbm>>
        %dma_start3A_87 = tpu.memref_squeeze %dma_start3A_86 : memref<1x1x128xi32, #tpu.memory_space<hbm>> -> memref<1x128xi32, #tpu.memory_space<hbm>>
        tpu.enqueue_dma source(%dma_start3A_87 : memref<1x128xi32, #tpu.memory_space<hbm>>) target(%dma_start3A_84 : memref<1x128xi32, #tpu.memory_space<vmem>>) target_semaphore(%run_scoped3A_75 : memref<!tpu.dma_semaphore, #tpu.memory_space<semaphore_mem>>)
        %dma_wait3A_88 = arith.constant 78 : i32
        %dma_wait3A_89 = arith.constant 0 : i32
        %dma_wait3A_90 = tpu.memref_slice %arg5[%dma_wait3A_88, %dma_wait3A_89] : memref<79x128xi32, #tpu.memory_space<vmem>> -> memref<1x128xi32, #tpu.memory_space<vmem>>
        %dma_wait3A_91 = arith.constant 0 : i32
        %dma_wait3A_92 = tpu.memref_slice %arg3[%run_scoped3A_74, %add3A_73, %dma_wait3A_91] : memref<2x2500x128xi32, #tpu.memory_space<hbm>> -> memref<1x1x128xi32, #tpu.memory_space<hbm>>
        %dma_wait3A_93 = tpu.memref_squeeze %dma_wait3A_92 : memref<1x1x128xi32, #tpu.memory_space<hbm>> -> memref<1x128xi32, #tpu.memory_space<hbm>>
        %dma_wait3A_94 = arith.constant 78 : i32
        %dma_wait3A_95 = arith.constant 0 : i32
        %dma_wait3A_96 = tpu.memref_slice %arg5[%dma_wait3A_94, %dma_wait3A_95] : memref<79x128xi32, #tpu.memory_space<vmem>> -> memref<1x128xi32, #tpu.memory_space<vmem>>
        %dma_wait3A_97 = arith.constant 0 : i32
        %dma_wait3A_98 = tpu.memref_slice %arg3[%run_scoped3A_74, %add3A_73, %dma_wait3A_97] : memref<2x2500x128xi32, #tpu.memory_space<hbm>> -> memref<1x1x128xi32, #tpu.memory_space<hbm>>
        %dma_wait3A_99 = tpu.memref_squeeze %dma_wait3A_98 : memref<1x1x128xi32, #tpu.memory_space<hbm>> -> memref<1x128xi32, #tpu.memory_space<hbm>>
        tpu.wait_dma2 semaphore(%run_scoped3A_75 : memref<!tpu.dma_semaphore, #tpu.memory_space<semaphore_mem>>) src(%dma_wait3A_99 : memref<1x128xi32, #tpu.memory_space<hbm>>) dst(%dma_wait3A_96 : memref<1x128xi32, #tpu.memory_space<vmem>>)
        tpu.yield
      }) : () -> ()
    } else {
    }
    %run_scoped3A_10 = arith.constant 1 : i32
    "tpu.region"() ({
      %run_scoped3A_72 = tpu.sem_alloc : memref<!tpu.dma_semaphore, #tpu.memory_space<semaphore_mem>>
      %dma_start3A_73 = arith.constant 0 : i32
      %dma_start3A_74 = arith.constant 0 : i32
      %dma_start3A_75 = tpu.memref_slice %arg6[%dma_start3A_73, %dma_start3A_74] : memref<79x128xi32, #tpu.memory_space<vmem>> -> memref<78x128xi32, #tpu.memory_space<vmem>>
      %dma_start3A_76 = arith.constant 0 : i32
      %dma_start3A_77 = tpu.memref_slice %arg3[%run_scoped3A_10, %add3A_4, %dma_start3A_76] : memref<2x2500x128xi32, #tpu.memory_space<hbm>> -> memref<1x78x128xi32, #tpu.memory_space<hbm>>
      %dma_start3A_78 = tpu.memref_squeeze %dma_start3A_77 : memref<1x78x128xi32, #tpu.memory_space<hbm>> -> memref<78x128xi32, #tpu.memory_space<hbm>>
      %dma_start3A_79 = arith.constant 0 : i32
      %dma_start3A_80 = arith.constant 0 : i32
      %dma_start3A_81 = tpu.memref_slice %arg6[%dma_start3A_79, %dma_start3A_80] : memref<79x128xi32, #tpu.memory_space<vmem>> -> memref<78x128xi32, #tpu.memory_space<vmem>>
      %dma_start3A_82 = arith.constant 0 : i32
      %dma_start3A_83 = tpu.memref_slice %arg3[%run_scoped3A_10, %add3A_4, %dma_start3A_82] : memref<2x2500x128xi32, #tpu.memory_space<hbm>> -> memref<1x78x128xi32, #tpu.memory_space<hbm>>
      %dma_start3A_84 = tpu.memref_squeeze %dma_start3A_83 : memref<1x78x128xi32, #tpu.memory_space<hbm>> -> memref<78x128xi32, #tpu.memory_space<hbm>>
      tpu.enqueue_dma source(%dma_start3A_84 : memref<78x128xi32, #tpu.memory_space<hbm>>) target(%dma_start3A_81 : memref<78x128xi32, #tpu.memory_space<vmem>>) target_semaphore(%run_scoped3A_72 : memref<!tpu.dma_semaphore, #tpu.memory_space<semaphore_mem>>)
      %dma_wait3A_85 = arith.constant 0 : i32
      %dma_wait3A_86 = arith.constant 0 : i32
      %dma_wait3A_87 = tpu.memref_slice %arg6[%dma_wait3A_85, %dma_wait3A_86] : memref<79x128xi32, #tpu.memory_space<vmem>> -> memref<78x128xi32, #tpu.memory_space<vmem>>
      %dma_wait3A_88 = arith.constant 0 : i32
      %dma_wait3A_89 = tpu.memref_slice %arg3[%run_scoped3A_10, %add3A_4, %dma_wait3A_88] : memref<2x2500x128xi32, #tpu.memory_space<hbm>> -> memref<1x78x128xi32, #tpu.memory_space<hbm>>
      %dma_wait3A_90 = tpu.memref_squeeze %dma_wait3A_89 : memref<1x78x128xi32, #tpu.memory_space<hbm>> -> memref<78x128xi32, #tpu.memory_space<hbm>>
      %dma_wait3A_91 = arith.constant 0 : i32
      %dma_wait3A_92 = arith.constant 0 : i32
      %dma_wait3A_93 = tpu.memref_slice %arg6[%dma_wait3A_91, %dma_wait3A_92] : memref<79x128xi32, #tpu.memory_space<vmem>> -> memref<78x128xi32, #tpu.memory_space<vmem>>
      %dma_wait3A_94 = arith.constant 0 : i32
      %dma_wait3A_95 = tpu.memref_slice %arg3[%run_scoped3A_10, %add3A_4, %dma_wait3A_94] : memref<2x2500x128xi32, #tpu.memory_space<hbm>> -> memref<1x78x128xi32, #tpu.memory_space<hbm>>
      %dma_wait3A_96 = tpu.memref_squeeze %dma_wait3A_95 : memref<1x78x128xi32, #tpu.memory_space<hbm>> -> memref<78x128xi32, #tpu.memory_space<hbm>>
      tpu.wait_dma2 semaphore(%run_scoped3A_72 : memref<!tpu.dma_semaphore, #tpu.memory_space<semaphore_mem>>) src(%dma_wait3A_96 : memref<78x128xi32, #tpu.memory_space<hbm>>) dst(%dma_wait3A_93 : memref<78x128xi32, #tpu.memory_space<vmem>>)
      tpu.yield
    }) : () -> ()
    %convert_element_type3A_11 = arith.extui %lt3A_5 : i1 to i32
    %cond3A_12 = arith.constant 0 : i32
    %cond3A_13 = arith.cmpi ne, %convert_element_type3A_11, %cond3A_12 : i32
    scf.if %cond3A_13 {
      %add3A_72 = arith.constant 78 : i32
      %add3A_73 = arith.addi %add3A_4, %add3A_72 : i32
      %run_scoped3A_74 = arith.constant 1 : i32
      "tpu.region"() ({
        %run_scoped3A_75 = tpu.sem_alloc : memref<!tpu.dma_semaphore, #tpu.memory_space<semaphore_mem>>
        %dma_start3A_76 = arith.constant 78 : i32
        %dma_start3A_77 = arith.constant 0 : i32
        %dma_start3A_78 = tpu.memref_slice %arg6[%dma_start3A_76, %dma_start3A_77] : memref<79x128xi32, #tpu.memory_space<vmem>> -> memref<1x128xi32, #tpu.memory_space<vmem>>
        %dma_start3A_79 = arith.constant 0 : i32
        %dma_start3A_80 = tpu.memref_slice %arg3[%run_scoped3A_74, %add3A_73, %dma_start3A_79] : memref<2x2500x128xi32, #tpu.memory_space<hbm>> -> memref<1x1x128xi32, #tpu.memory_space<hbm>>
        %dma_start3A_81 = tpu.memref_squeeze %dma_start3A_80 : memref<1x1x128xi32, #tpu.memory_space<hbm>> -> memref<1x128xi32, #tpu.memory_space<hbm>>
        %dma_start3A_82 = arith.constant 78 : i32
        %dma_start3A_83 = arith.constant 0 : i32
        %dma_start3A_84 = tpu.memref_slice %arg6[%dma_start3A_82, %dma_start3A_83] : memref<79x128xi32, #tpu.memory_space<vmem>> -> memref<1x128xi32, #tpu.memory_space<vmem>>
        %dma_start3A_85 = arith.constant 0 : i32
        %dma_start3A_86 = tpu.memref_slice %arg3[%run_scoped3A_74, %add3A_73, %dma_start3A_85] : memref<2x2500x128xi32, #tpu.memory_space<hbm>> -> memref<1x1x128xi32, #tpu.memory_space<hbm>>
        %dma_start3A_87 = tpu.memref_squeeze %dma_start3A_86 : memref<1x1x128xi32, #tpu.memory_space<hbm>> -> memref<1x128xi32, #tpu.memory_space<hbm>>
        tpu.enqueue_dma source(%dma_start3A_87 : memref<1x128xi32, #tpu.memory_space<hbm>>) target(%dma_start3A_84 : memref<1x128xi32, #tpu.memory_space<vmem>>) target_semaphore(%run_scoped3A_75 : memref<!tpu.dma_semaphore, #tpu.memory_space<semaphore_mem>>)
        %dma_wait3A_88 = arith.constant 78 : i32
        %dma_wait3A_89 = arith.constant 0 : i32
        %dma_wait3A_90 = tpu.memref_slice %arg6[%dma_wait3A_88, %dma_wait3A_89] : memref<79x128xi32, #tpu.memory_space<vmem>> -> memref<1x128xi32, #tpu.memory_space<vmem>>
        %dma_wait3A_91 = arith.constant 0 : i32
        %dma_wait3A_92 = tpu.memref_slice %arg3[%run_scoped3A_74, %add3A_73, %dma_wait3A_91] : memref<2x2500x128xi32, #tpu.memory_space<hbm>> -> memref<1x1x128xi32, #tpu.memory_space<hbm>>
        %dma_wait3A_93 = tpu.memref_squeeze %dma_wait3A_92 : memref<1x1x128xi32, #tpu.memory_space<hbm>> -> memref<1x128xi32, #tpu.memory_space<hbm>>
        %dma_wait3A_94 = arith.constant 78 : i32
        %dma_wait3A_95 = arith.constant 0 : i32
        %dma_wait3A_96 = tpu.memref_slice %arg6[%dma_wait3A_94, %dma_wait3A_95] : memref<79x128xi32, #tpu.memory_space<vmem>> -> memref<1x128xi32, #tpu.memory_space<vmem>>
        %dma_wait3A_97 = arith.constant 0 : i32
        %dma_wait3A_98 = tpu.memref_slice %arg3[%run_scoped3A_74, %add3A_73, %dma_wait3A_97] : memref<2x2500x128xi32, #tpu.memory_space<hbm>> -> memref<1x1x128xi32, #tpu.memory_space<hbm>>
        %dma_wait3A_99 = tpu.memref_squeeze %dma_wait3A_98 : memref<1x1x128xi32, #tpu.memory_space<hbm>> -> memref<1x128xi32, #tpu.memory_space<hbm>>
        tpu.wait_dma2 semaphore(%run_scoped3A_75 : memref<!tpu.dma_semaphore, #tpu.memory_space<semaphore_mem>>) src(%dma_wait3A_99 : memref<1x128xi32, #tpu.memory_space<hbm>>) dst(%dma_wait3A_96 : memref<1x128xi32, #tpu.memory_space<vmem>>)
        tpu.yield
      }) : () -> ()
    } else {
    }
    %mul3A_14 = arith.constant 625 : i32
    %mul3A_15 = arith.muli %arg1, %mul3A_14 : i32
    %mul3A_16 = arith.constant 625 : i32
    %mul3A_17 = arith.muli %arg1, %mul3A_16 : i32
    %dma_start3A = arith.constant 0 : i32
    %dma_start3A_18 = tpu.memref_slice %arg10[%mul3A_17, %dma_start3A] : memref<10000x64xf32, #tpu.memory_space<vmem_shared>> -> memref<625x64xf32, #tpu.memory_space<vmem_shared>>
    %dma_start3A_19 = arith.constant 0 : i32
    %dma_start3A_20 = tpu.memref_slice %arg2[%mul3A_15, %dma_start3A_19] : memref<10000x64xf32, #tpu.memory_space<hbm>> -> memref<625x64xf32, #tpu.memory_space<hbm>>
    tpu.enqueue_dma source(%dma_start3A_20 : memref<625x64xf32, #tpu.memory_space<hbm>>) target(%dma_start3A_18 : memref<625x64xf32, #tpu.memory_space<vmem_shared>>) target_semaphore(%arg12 : memref<!tpu.dma_semaphore, #tpu.memory_space<semaphore_mem>>)
    %broadcast_in_dim3A = arith.constant 0.000000e+00 : f32
    %broadcast_in_dim3A_21 = vector.broadcast %broadcast_in_dim3A : f32 to vector<16xf32>
    %scan3A = arith.constant 0 : i32
    %scan3A_22 = arith.constant 158 : i32
    %scan3A_23 = arith.addi %scan3A, %scan3A_22 : i32
    %scan3A_24 = arith.constant 1 : i32
    scf.for %scan3A_72 = %scan3A to %scan3A_23 step %scan3A_24  : i32 {
      %mul3A_73 = arith.constant 1 : i32
      %mul3A_74 = arith.muli %scan3A_72, %mul3A_73 : i32
      %add3A_75 = arith.constant 0 : i32
      %add3A_76 = arith.addi %add3A_75, %mul3A_74 : i32
      %swap3A = arith.index_cast %add3A_76 : i32 to index
      %swap3A_77 = arith.constant 0 : index
      %swap3A_78 = tpu.vector_load %arg9[%swap3A, %swap3A_77] {strides = array<i32>} : memref<158x64xf32, #tpu.memory_space<vmem>>, vector<1x16xf32>,
      %swap3A_79 = vector.shape_cast %swap3A_78 : vector<1x16xf32> to vector<16xf32>
      %swap3A_80 = vector.shape_cast %broadcast_in_dim3A_21 : vector<16xf32> to vector<1x16xf32>
      tpu.vector_store %arg9[%swap3A, %swap3A_77], %swap3A_80 {strides = array<i32>} : memref<158x64xf32, #tpu.memory_space<vmem>>, vector<1x16xf32>,
      %swap3A_81 = arith.index_cast %add3A_76 : i32 to index
      %swap3A_82 = arith.constant 16 : index
      %swap3A_83 = tpu.vector_load %arg9[%swap3A_81, %swap3A_82] {strides = array<i32>} : memref<158x64xf32, #tpu.memory_space<vmem>>, vector<1x16xf32>,
      %swap3A_84 = vector.shape_cast %swap3A_83 : vector<1x16xf32> to vector<16xf32>
      %swap3A_85 = vector.shape_cast %broadcast_in_dim3A_21 : vector<16xf32> to vector<1x16xf32>
      tpu.vector_store %arg9[%swap3A_81, %swap3A_82], %swap3A_85 {strides = array<i32>} : memref<158x64xf32, #tpu.memory_space<vmem>>, vector<1x16xf32>,
      %swap3A_86 = arith.index_cast %add3A_76 : i32 to index
      %swap3A_87 = arith.constant 32 : index
      %swap3A_88 = tpu.vector_load %arg9[%swap3A_86, %swap3A_87] {strides = array<i32>} : memref<158x64xf32, #tpu.memory_space<vmem>>, vector<1x16xf32>,
      %swap3A_89 = vector.shape_cast %swap3A_88 : vector<1x16xf32> to vector<16xf32>
      %swap3A_90 = vector.shape_cast %broadcast_in_dim3A_21 : vector<16xf32> to vector<1x16xf32>
      tpu.vector_store %arg9[%swap3A_86, %swap3A_87], %swap3A_90 {strides = array<i32>} : memref<158x64xf32, #tpu.memory_space<vmem>>, vector<1x16xf32>,
      %swap3A_91 = arith.index_cast %add3A_76 : i32 to index
      %swap3A_92 = arith.constant 48 : index
      %swap3A_93 = tpu.vector_load %arg9[%swap3A_91, %swap3A_92] {strides = array<i32>} : memref<158x64xf32, #tpu.memory_space<vmem>>, vector<1x16xf32>,
      %swap3A_94 = vector.shape_cast %swap3A_93 : vector<1x16xf32> to vector<16xf32>
      %swap3A_95 = vector.shape_cast %broadcast_in_dim3A_21 : vector<16xf32> to vector<1x16xf32>
      tpu.vector_store %arg9[%swap3A_91, %swap3A_92], %swap3A_95 {strides = array<i32>} : memref<158x64xf32, #tpu.memory_space<vmem>>, vector<1x16xf32>,
    }
    %scan3A_25 = arith.constant 158 : i32
    %mul3A_26 = arith.constant 632 : i32
    %mul3A_27 = arith.muli %arg1, %mul3A_26 : i32
    %add3A_28 = arith.constant 0 : i32
    %add3A_29 = arith.addi %mul3A_27, %add3A_28 : i32
    "tpu.region"() ({
      %run_scoped3A_72 = tpu.sem_alloc : memref<!tpu.dma_semaphore, #tpu.memory_space<semaphore_mem>>
      %dma_start3A_73 = arith.constant 0 : i32
      %dma_start3A_74 = tpu.memref_slice %arg11[%add3A_29, %dma_start3A_73] : memref<10112x64xf32, #tpu.memory_space<vmem_shared>> -> memref<158x64xf32, #tpu.memory_space<vmem_shared>>
      %dma_start3A_75 = arith.constant 0 : i32
      %dma_start3A_76 = tpu.memref_slice %arg11[%add3A_29, %dma_start3A_75] : memref<10112x64xf32, #tpu.memory_space<vmem_shared>> -> memref<158x64xf32, #tpu.memory_space<vmem_shared>>
      tpu.enqueue_dma source(%arg9 : memref<158x64xf32, #tpu.memory_space<vmem>>) target(%dma_start3A_76 : memref<158x64xf32, #tpu.memory_space<vmem_shared>>) target_semaphore(%run_scoped3A_72 : memref<!tpu.dma_semaphore, #tpu.memory_space<semaphore_mem>>)
      %dma_wait3A_77 = arith.constant 0 : i32
      %dma_wait3A_78 = tpu.memref_slice %arg11[%add3A_29, %dma_wait3A_77] : memref<10112x64xf32, #tpu.memory_space<vmem_shared>> -> memref<158x64xf32, #tpu.memory_space<vmem_shared>>
      %dma_wait3A_79 = arith.constant 0 : i32
      %dma_wait3A_80 = tpu.memref_slice %arg11[%add3A_29, %dma_wait3A_79] : memref<10112x64xf32, #tpu.memory_space<vmem_shared>> -> memref<158x64xf32, #tpu.memory_space<vmem_shared>>
      tpu.wait_dma2 semaphore(%run_scoped3A_72 : memref<!tpu.dma_semaphore, #tpu.memory_space<semaphore_mem>>) src(%arg9 : memref<158x64xf32, #tpu.memory_space<vmem>>) dst(%dma_wait3A_80 : memref<158x64xf32, #tpu.memory_space<vmem_shared>>)
      tpu.yield
    }) : () -> ()
    %mul3A_30 = arith.constant 632 : i32
    %mul3A_31 = arith.muli %arg1, %mul3A_30 : i32
    %add3A_32 = arith.constant 158 : i32
    %add3A_33 = arith.addi %mul3A_31, %add3A_32 : i32
    "tpu.region"() ({
      %run_scoped3A_72 = tpu.sem_alloc : memref<!tpu.dma_semaphore, #tpu.memory_space<semaphore_mem>>
      %dma_start3A_73 = arith.constant 0 : i32
      %dma_start3A_74 = tpu.memref_slice %arg11[%add3A_33, %dma_start3A_73] : memref<10112x64xf32, #tpu.memory_space<vmem_shared>> -> memref<158x64xf32, #tpu.memory_space<vmem_shared>>
      %dma_start3A_75 = arith.constant 0 : i32
      %dma_start3A_76 = tpu.memref_slice %arg11[%add3A_33, %dma_start3A_75] : memref<10112x64xf32, #tpu.memory_space<vmem_shared>> -> memref<158x64xf32, #tpu.memory_space<vmem_shared>>
      tpu.enqueue_dma source(%arg9 : memref<158x64xf32, #tpu.memory_space<vmem>>) target(%dma_start3A_76 : memref<158x64xf32, #tpu.memory_space<vmem_shared>>) target_semaphore(%run_scoped3A_72 : memref<!tpu.dma_semaphore, #tpu.memory_space<semaphore_mem>>)
      %dma_wait3A_77 = arith.constant 0 : i32
      %dma_wait3A_78 = tpu.memref_slice %arg11[%add3A_33, %dma_wait3A_77] : memref<10112x64xf32, #tpu.memory_space<vmem_shared>> -> memref<158x64xf32, #tpu.memory_space<vmem_shared>>
      %dma_wait3A_79 = arith.constant 0 : i32
      %dma_wait3A_80 = tpu.memref_slice %arg11[%add3A_33, %dma_wait3A_79] : memref<10112x64xf32, #tpu.memory_space<vmem_shared>> -> memref<158x64xf32, #tpu.memory_space<vmem_shared>>
      tpu.wait_dma2 semaphore(%run_scoped3A_72 : memref<!tpu.dma_semaphore, #tpu.memory_space<semaphore_mem>>) src(%arg9 : memref<158x64xf32, #tpu.memory_space<vmem>>) dst(%dma_wait3A_80 : memref<158x64xf32, #tpu.memory_space<vmem_shared>>)
      tpu.yield
    }) : () -> ()
    %mul3A_34 = arith.constant 632 : i32
    %mul3A_35 = arith.muli %arg1, %mul3A_34 : i32
    %add3A_36 = arith.constant 316 : i32
    %add3A_37 = arith.addi %mul3A_35, %add3A_36 : i32
    "tpu.region"() ({
      %run_scoped3A_72 = tpu.sem_alloc : memref<!tpu.dma_semaphore, #tpu.memory_space<semaphore_mem>>
      %dma_start3A_73 = arith.constant 0 : i32
      %dma_start3A_74 = tpu.memref_slice %arg11[%add3A_37, %dma_start3A_73] : memref<10112x64xf32, #tpu.memory_space<vmem_shared>> -> memref<158x64xf32, #tpu.memory_space<vmem_shared>>
      %dma_start3A_75 = arith.constant 0 : i32
      %dma_start3A_76 = tpu.memref_slice %arg11[%add3A_37, %dma_start3A_75] : memref<10112x64xf32, #tpu.memory_space<vmem_shared>> -> memref<158x64xf32, #tpu.memory_space<vmem_shared>>
      tpu.enqueue_dma source(%arg9 : memref<158x64xf32, #tpu.memory_space<vmem>>) target(%dma_start3A_76 : memref<158x64xf32, #tpu.memory_space<vmem_shared>>) target_semaphore(%run_scoped3A_72 : memref<!tpu.dma_semaphore, #tpu.memory_space<semaphore_mem>>)
      %dma_wait3A_77 = arith.constant 0 : i32
      %dma_wait3A_78 = tpu.memref_slice %arg11[%add3A_37, %dma_wait3A_77] : memref<10112x64xf32, #tpu.memory_space<vmem_shared>> -> memref<158x64xf32, #tpu.memory_space<vmem_shared>>
      %dma_wait3A_79 = arith.constant 0 : i32
      %dma_wait3A_80 = tpu.memref_slice %arg11[%add3A_37, %dma_wait3A_79] : memref<10112x64xf32, #tpu.memory_space<vmem_shared>> -> memref<158x64xf32, #tpu.memory_space<vmem_shared>>
      tpu.wait_dma2 semaphore(%run_scoped3A_72 : memref<!tpu.dma_semaphore, #tpu.memory_space<semaphore_mem>>) src(%arg9 : memref<158x64xf32, #tpu.memory_space<vmem>>) dst(%dma_wait3A_80 : memref<158x64xf32, #tpu.memory_space<vmem_shared>>)
      tpu.yield
    }) : () -> ()
    %mul3A_38 = arith.constant 632 : i32
    %mul3A_39 = arith.muli %arg1, %mul3A_38 : i32
    %add3A_40 = arith.constant 474 : i32
    %add3A_41 = arith.addi %mul3A_39, %add3A_40 : i32
    "tpu.region"() ({
      %run_scoped3A_72 = tpu.sem_alloc : memref<!tpu.dma_semaphore, #tpu.memory_space<semaphore_mem>>
      %dma_start3A_73 = arith.constant 0 : i32
      %dma_start3A_74 = tpu.memref_slice %arg11[%add3A_41, %dma_start3A_73] : memref<10112x64xf32, #tpu.memory_space<vmem_shared>> -> memref<158x64xf32, #tpu.memory_space<vmem_shared>>
      %dma_start3A_75 = arith.constant 0 : i32
      %dma_start3A_76 = tpu.memref_slice %arg11[%add3A_41, %dma_start3A_75] : memref<10112x64xf32, #tpu.memory_space<vmem_shared>> -> memref<158x64xf32, #tpu.memory_space<vmem_shared>>
      tpu.enqueue_dma source(%arg9 : memref<158x64xf32, #tpu.memory_space<vmem>>) target(%dma_start3A_76 : memref<158x64xf32, #tpu.memory_space<vmem_shared>>) target_semaphore(%run_scoped3A_72 : memref<!tpu.dma_semaphore, #tpu.memory_space<semaphore_mem>>)
      %dma_wait3A_77 = arith.constant 0 : i32
      %dma_wait3A_78 = tpu.memref_slice %arg11[%add3A_41, %dma_wait3A_77] : memref<10112x64xf32, #tpu.memory_space<vmem_shared>> -> memref<158x64xf32, #tpu.memory_space<vmem_shared>>
      %dma_wait3A_79 = arith.constant 0 : i32
      %dma_wait3A_80 = tpu.memref_slice %arg11[%add3A_41, %dma_wait3A_79] : memref<10112x64xf32, #tpu.memory_space<vmem_shared>> -> memref<158x64xf32, #tpu.memory_space<vmem_shared>>
      tpu.wait_dma2 semaphore(%run_scoped3A_72 : memref<!tpu.dma_semaphore, #tpu.memory_space<semaphore_mem>>) src(%arg9 : memref<158x64xf32, #tpu.memory_space<vmem>>) dst(%dma_wait3A_80 : memref<158x64xf32, #tpu.memory_space<vmem_shared>>)
      tpu.yield
    }) : () -> ()
    %dma_wait3A = arith.constant 0 : i32
    %dma_wait3A_42 = tpu.memref_slice %arg10[%mul3A_17, %dma_wait3A] : memref<10000x64xf32, #tpu.memory_space<vmem_shared>> -> memref<625x64xf32, #tpu.memory_space<vmem_shared>>
    %dma_wait3A_43 = arith.constant 0 : i32
    %dma_wait3A_44 = tpu.memref_slice %arg2[%mul3A_15, %dma_wait3A_43] : memref<10000x64xf32, #tpu.memory_space<hbm>> -> memref<625x64xf32, #tpu.memory_space<hbm>>
    tpu.wait_dma2 semaphore(%arg12 : memref<!tpu.dma_semaphore, #tpu.memory_space<semaphore_mem>>) src(%dma_wait3A_44 : memref<625x64xf32, #tpu.memory_space<hbm>>) dst(%dma_wait3A_42 : memref<625x64xf32, #tpu.memory_space<vmem_shared>>)
    %barrier3A = arith.constant 0 : index
    tpu.barrier barrier_id(%barrier3A)
    %dma_start3A_45 = arith.constant 0 : i32
    %dma_start3A_46 = arith.constant 0 : i32
    %dma_start3A_47 = tpu.memref_slice %arg5[%dma_start3A_45, %dma_start3A_46] : memref<79x128xi32, #tpu.memory_space<vmem>> -> memref<1x128xi32, #tpu.memory_space<vmem>>
    %dma_start3A_48 = tpu.memref_squeeze %dma_start3A_47 : memref<1x128xi32, #tpu.memory_space<vmem>> -> memref<128xi32, #tpu.memory_space<vmem>>
    %dma_start3A_49 = arith.constant 0 : i32
    %dma_start3A_50 = arith.constant 0 : i32
    %dma_start3A_51 = tpu.memref_slice %arg10[%dma_start3A_49, %dma_start3A_50] : memref<10000x64xf32, #tpu.memory_space<vmem_shared>> -> memref<10000x64xf32, #tpu.memory_space<vmem_shared>>
    tpu.enqueue_indirect_dma source(%dma_start3A_51 : memref<10000x64xf32, #tpu.memory_space<vmem_shared>>) target(%arg7 : memref<128x64xf32, #tpu.memory_space<vmem>>) offsets(%dma_start3A_48 : memref<128xi32, #tpu.memory_space<vmem>>) semaphore(%arg12 : memref<!tpu.dma_semaphore, #tpu.memory_space<semaphore_mem>>)
    %dma_start3A_52 = arith.constant 1 : i32
    %dma_start3A_53 = arith.constant 0 : i32
    %dma_start3A_54 = tpu.memref_slice %arg5[%dma_start3A_52, %dma_start3A_53] : memref<79x128xi32, #tpu.memory_space<vmem>> -> memref<1x128xi32, #tpu.memory_space<vmem>>
    %dma_start3A_55 = tpu.memref_squeeze %dma_start3A_54 : memref<1x128xi32, #tpu.memory_space<vmem>> -> memref<128xi32, #tpu.memory_space<vmem>>
    %dma_start3A_56 = arith.constant 0 : i32
    %dma_start3A_57 = arith.constant 0 : i32
    %dma_start3A_58 = tpu.memref_slice %arg10[%dma_start3A_56, %dma_start3A_57] : memref<10000x64xf32, #tpu.memory_space<vmem_shared>> -> memref<10000x64xf32, #tpu.memory_space<vmem_shared>>
    tpu.enqueue_indirect_dma source(%dma_start3A_58 : memref<10000x64xf32, #tpu.memory_space<vmem_shared>>) target(%arg8 : memref<128x64xf32, #tpu.memory_space<vmem>>) offsets(%dma_start3A_55 : memref<128xi32, #tpu.memory_space<vmem>>) semaphore(%arg13 : memref<!tpu.dma_semaphore, #tpu.memory_space<semaphore_mem>>)
    %scan3A_59 = arith.constant 0 : i32
    %scan3A_60 = arith.constant 39 : i32
    %scan3A_61 = arith.addi %scan3A_59, %scan3A_60 : i32
    %scan3A_62 = arith.constant 1 : i32
    scf.for %scan3A_72 = %scan3A_59 to %scan3A_61 step %scan3A_62  : i32 {
      %mul3A_73 = arith.constant 1 : i32
      %mul3A_74 = arith.muli %scan3A_72, %mul3A_73 : i32
      %add3A_75 = arith.constant 0 : i32
      %add3A_76 = arith.addi %add3A_75, %mul3A_74 : i32
      %mul3A_77 = arith.constant 2 : i32
      %mul3A_78 = arith.muli %mul3A_77, %add3A_76 : i32
      %add3A_79 = arith.constant 0 : i32
      %add3A_80 = arith.addi %mul3A_78, %add3A_79 : i32
      %dma_wait3A_81 = arith.constant 0 : i32
      %dma_wait3A_82 = tpu.memref_slice %arg5[%add3A_80, %dma_wait3A_81] : memref<79x128xi32, #tpu.memory_space<vmem>> -> memref<1x128xi32, #tpu.memory_space<vmem>>
      %dma_wait3A_83 = tpu.memref_squeeze %dma_wait3A_82 : memref<1x128xi32, #tpu.memory_space<vmem>> -> memref<128xi32, #tpu.memory_space<vmem>>
      %dma_wait3A_84 = arith.constant 0 : i32
      %dma_wait3A_85 = arith.constant 0 : i32
      %dma_wait3A_86 = tpu.memref_slice %arg10[%dma_wait3A_84, %dma_wait3A_85] : memref<10000x64xf32, #tpu.memory_space<vmem_shared>> -> memref<10000x64xf32, #tpu.memory_space<vmem_shared>>
      tpu.wait_indirect_dma semaphore(%arg12 : memref<!tpu.dma_semaphore, #tpu.memory_space<semaphore_mem>>) src(%dma_wait3A_86 : memref<10000x64xf32, #tpu.memory_space<vmem_shared>>) dst(%arg7 : memref<128x64xf32, #tpu.memory_space<vmem>>)
      "tpu.region"() ({
        %run_scoped3A_107 = tpu.sem_alloc : memref<!tpu.dma_semaphore, #tpu.memory_space<semaphore_mem>>
        %dma_start3A_108 = arith.constant 0 : i32
        %dma_start3A_109 = tpu.memref_slice %arg6[%add3A_80, %dma_start3A_108] : memref<79x128xi32, #tpu.memory_space<vmem>> -> memref<1x128xi32, #tpu.memory_space<vmem>>
        %dma_start3A_110 = tpu.memref_squeeze %dma_start3A_109 : memref<1x128xi32, #tpu.memory_space<vmem>> -> memref<128xi32, #tpu.memory_space<vmem>>
        %dma_start3A_111 = arith.constant 0 : i32
        %dma_start3A_112 = arith.constant 0 : i32
        %dma_start3A_113 = tpu.memref_slice %arg11[%dma_start3A_111, %dma_start3A_112] : memref<10112x64xf32, #tpu.memory_space<vmem_shared>> -> memref<10112x64xf32, #tpu.memory_space<vmem_shared>>
        tpu.enqueue_indirect_dma source(%arg7 : memref<128x64xf32, #tpu.memory_space<vmem>>) target(%dma_start3A_113 : memref<10112x64xf32, #tpu.memory_space<vmem_shared>>) offsets(%dma_start3A_110 : memref<128xi32, #tpu.memory_space<vmem>>) semaphore(%run_scoped3A_107 : memref<!tpu.dma_semaphore, #tpu.memory_space<semaphore_mem>>) {add = true}
        %dma_wait3A_114 = arith.constant 0 : i32
        %dma_wait3A_115 = tpu.memref_slice %arg6[%add3A_80, %dma_wait3A_114] : memref<79x128xi32, #tpu.memory_space<vmem>> -> memref<1x128xi32, #tpu.memory_space<vmem>>
        %dma_wait3A_116 = tpu.memref_squeeze %dma_wait3A_115 : memref<1x128xi32, #tpu.memory_space<vmem>> -> memref<128xi32, #tpu.memory_space<vmem>>
        %dma_wait3A_117 = arith.constant 0 : i32
        %dma_wait3A_118 = arith.constant 0 : i32
        %dma_wait3A_119 = tpu.memref_slice %arg11[%dma_wait3A_117, %dma_wait3A_118] : memref<10112x64xf32, #tpu.memory_space<vmem_shared>> -> memref<10112x64xf32, #tpu.memory_space<vmem_shared>>
        tpu.wait_indirect_dma semaphore(%run_scoped3A_107 : memref<!tpu.dma_semaphore, #tpu.memory_space<semaphore_mem>>) src(%arg7 : memref<128x64xf32, #tpu.memory_space<vmem>>) dst(%dma_wait3A_119 : memref<10112x64xf32, #tpu.memory_space<vmem_shared>>)
        tpu.yield
      }) : () -> ()
      %add3A_87 = arith.constant 2 : i32
      %add3A_88 = arith.addi %add3A_80, %add3A_87 : i32
      %lt3A_89 = arith.cmpi slt, %add3A_88, %add3A_7 : i32
      %convert_element_type3A_90 = arith.extui %lt3A_89 : i1 to i32
      %cond3A_91 = arith.constant 0 : i32
      %cond3A_92 = arith.cmpi ne, %convert_element_type3A_90, %cond3A_91 : i32
      scf.if %cond3A_92 {
        %add3A_107 = arith.constant 2 : i32
        %add3A_108 = arith.addi %add3A_80, %add3A_107 : i32
        %dma_start3A_109 = arith.constant 0 : i32
        %dma_start3A_110 = tpu.memref_slice %arg5[%add3A_108, %dma_start3A_109] : memref<79x128xi32, #tpu.memory_space<vmem>> -> memref<1x128xi32, #tpu.memory_space<vmem>>
        %dma_start3A_111 = tpu.memref_squeeze %dma_start3A_110 : memref<1x128xi32, #tpu.memory_space<vmem>> -> memref<128xi32, #tpu.memory_space<vmem>>
        %dma_start3A_112 = arith.constant 0 : i32
        %dma_start3A_113 = arith.constant 0 : i32
        %dma_start3A_114 = tpu.memref_slice %arg10[%dma_start3A_112, %dma_start3A_113] : memref<10000x64xf32, #tpu.memory_space<vmem_shared>> -> memref<10000x64xf32, #tpu.memory_space<vmem_shared>>
        tpu.enqueue_indirect_dma source(%dma_start3A_114 : memref<10000x64xf32, #tpu.memory_space<vmem_shared>>) target(%arg7 : memref<128x64xf32, #tpu.memory_space<vmem>>) offsets(%dma_start3A_111 : memref<128xi32, #tpu.memory_space<vmem>>) semaphore(%arg12 : memref<!tpu.dma_semaphore, #tpu.memory_space<semaphore_mem>>)
      } else {
      }
      %add3A_93 = arith.constant 1 : i32
      %add3A_94 = arith.addi %mul3A_78, %add3A_93 : i32
      %dma_wait3A_95 = arith.constant 0 : i32
      %dma_wait3A_96 = tpu.memref_slice %arg5[%add3A_94, %dma_wait3A_95] : memref<79x128xi32, #tpu.memory_space<vmem>> -> memref<1x128xi32, #tpu.memory_space<vmem>>
      %dma_wait3A_97 = tpu.memref_squeeze %dma_wait3A_96 : memref<1x128xi32, #tpu.memory_space<vmem>> -> memref<128xi32, #tpu.memory_space<vmem>>
      %dma_wait3A_98 = arith.constant 0 : i32
      %dma_wait3A_99 = arith.constant 0 : i32
      %dma_wait3A_100 = tpu.memref_slice %arg10[%dma_wait3A_98, %dma_wait3A_99] : memref<10000x64xf32, #tpu.memory_space<vmem_shared>> -> memref<10000x64xf32, #tpu.memory_space<vmem_shared>>
      tpu.wait_indirect_dma semaphore(%arg13 : memref<!tpu.dma_semaphore, #tpu.memory_space<semaphore_mem>>) src(%dma_wait3A_100 : memref<10000x64xf32, #tpu.memory_space<vmem_shared>>) dst(%arg8 : memref<128x64xf32, #tpu.memory_space<vmem>>)
      "tpu.region"() ({
        %run_scoped3A_107 = tpu.sem_alloc : memref<!tpu.dma_semaphore, #tpu.memory_space<semaphore_mem>>
        %dma_start3A_108 = arith.constant 0 : i32
        %dma_start3A_109 = tpu.memref_slice %arg6[%add3A_94, %dma_start3A_108] : memref<79x128xi32, #tpu.memory_space<vmem>> -> memref<1x128xi32, #tpu.memory_space<vmem>>
        %dma_start3A_110 = tpu.memref_squeeze %dma_start3A_109 : memref<1x128xi32, #tpu.memory_space<vmem>> -> memref<128xi32, #tpu.memory_space<vmem>>
        %dma_start3A_111 = arith.constant 0 : i32
        %dma_start3A_112 = arith.constant 0 : i32
        %dma_start3A_113 = tpu.memref_slice %arg11[%dma_start3A_111, %dma_start3A_112] : memref<10112x64xf32, #tpu.memory_space<vmem_shared>> -> memref<10112x64xf32, #tpu.memory_space<vmem_shared>>
        tpu.enqueue_indirect_dma source(%arg8 : memref<128x64xf32, #tpu.memory_space<vmem>>) target(%dma_start3A_113 : memref<10112x64xf32, #tpu.memory_space<vmem_shared>>) offsets(%dma_start3A_110 : memref<128xi32, #tpu.memory_space<vmem>>) semaphore(%run_scoped3A_107 : memref<!tpu.dma_semaphore, #tpu.memory_space<semaphore_mem>>) {add = true}
        %dma_wait3A_114 = arith.constant 0 : i32
        %dma_wait3A_115 = tpu.memref_slice %arg6[%add3A_94, %dma_wait3A_114] : memref<79x128xi32, #tpu.memory_space<vmem>> -> memref<1x128xi32, #tpu.memory_space<vmem>>
        %dma_wait3A_116 = tpu.memref_squeeze %dma_wait3A_115 : memref<1x128xi32, #tpu.memory_space<vmem>> -> memref<128xi32, #tpu.memory_space<vmem>>
        %dma_wait3A_117 = arith.constant 0 : i32
        %dma_wait3A_118 = arith.constant 0 : i32
        %dma_wait3A_119 = tpu.memref_slice %arg11[%dma_wait3A_117, %dma_wait3A_118] : memref<10112x64xf32, #tpu.memory_space<vmem_shared>> -> memref<10112x64xf32, #tpu.memory_space<vmem_shared>>
        tpu.wait_indirect_dma semaphore(%run_scoped3A_107 : memref<!tpu.dma_semaphore, #tpu.memory_space<semaphore_mem>>) src(%arg8 : memref<128x64xf32, #tpu.memory_space<vmem>>) dst(%dma_wait3A_119 : memref<10112x64xf32, #tpu.memory_space<vmem_shared>>)
        tpu.yield
      }) : () -> ()
      %add3A_101 = arith.constant 2 : i32
      %add3A_102 = arith.addi %add3A_94, %add3A_101 : i32
      %lt3A_103 = arith.cmpi slt, %add3A_102, %add3A_7 : i32
      %convert_element_type3A_104 = arith.extui %lt3A_103 : i1 to i32
      %cond3A_105 = arith.constant 0 : i32
      %cond3A_106 = arith.cmpi ne, %convert_element_type3A_104, %cond3A_105 : i32
      scf.if %cond3A_106 {
        %add3A_107 = arith.constant 2 : i32
        %add3A_108 = arith.addi %add3A_94, %add3A_107 : i32
        %dma_start3A_109 = arith.constant 0 : i32
        %dma_start3A_110 = tpu.memref_slice %arg5[%add3A_108, %dma_start3A_109] : memref<79x128xi32, #tpu.memory_space<vmem>> -> memref<1x128xi32, #tpu.memory_space<vmem>>
        %dma_start3A_111 = tpu.memref_squeeze %dma_start3A_110 : memref<1x128xi32, #tpu.memory_space<vmem>> -> memref<128xi32, #tpu.memory_space<vmem>>
        %dma_start3A_112 = arith.constant 0 : i32
        %dma_start3A_113 = arith.constant 0 : i32
        %dma_start3A_114 = tpu.memref_slice %arg10[%dma_start3A_112, %dma_start3A_113] : memref<10000x64xf32, #tpu.memory_space<vmem_shared>> -> memref<10000x64xf32, #tpu.memory_space<vmem_shared>>
        tpu.enqueue_indirect_dma source(%dma_start3A_114 : memref<10000x64xf32, #tpu.memory_space<vmem_shared>>) target(%arg8 : memref<128x64xf32, #tpu.memory_space<vmem>>) offsets(%dma_start3A_111 : memref<128xi32, #tpu.memory_space<vmem>>) semaphore(%arg13 : memref<!tpu.dma_semaphore, #tpu.memory_space<semaphore_mem>>)
      } else {
      }
    }
    %scan3A_63 = arith.constant 39 : i32
    %convert_element_type3A_64 = arith.extui %lt3A_5 : i1 to i32
    %cond3A_65 = arith.constant 0 : i32
    %cond3A_66 = arith.cmpi ne, %convert_element_type3A_64, %cond3A_65 : i32
    scf.if %cond3A_66 {
      %dma_wait3A_72 = arith.constant 78 : i32
      %dma_wait3A_73 = arith.constant 0 : i32
      %dma_wait3A_74 = tpu.memref_slice %arg5[%dma_wait3A_72, %dma_wait3A_73] : memref<79x128xi32, #tpu.memory_space<vmem>> -> memref<1x128xi32, #tpu.memory_space<vmem>>
      %dma_wait3A_75 = tpu.memref_squeeze %dma_wait3A_74 : memref<1x128xi32, #tpu.memory_space<vmem>> -> memref<128xi32, #tpu.memory_space<vmem>>
      %dma_wait3A_76 = arith.constant 0 : i32
      %dma_wait3A_77 = arith.constant 0 : i32
      %dma_wait3A_78 = tpu.memref_slice %arg10[%dma_wait3A_76, %dma_wait3A_77] : memref<10000x64xf32, #tpu.memory_space<vmem_shared>> -> memref<10000x64xf32, #tpu.memory_space<vmem_shared>>
      tpu.wait_indirect_dma semaphore(%arg12 : memref<!tpu.dma_semaphore, #tpu.memory_space<semaphore_mem>>) src(%dma_wait3A_78 : memref<10000x64xf32, #tpu.memory_space<vmem_shared>>) dst(%arg7 : memref<128x64xf32, #tpu.memory_space<vmem>>)
      %run_scoped3A_79 = arith.constant 78 : i32
      "tpu.region"() ({
        %run_scoped3A_80 = tpu.sem_alloc : memref<!tpu.dma_semaphore, #tpu.memory_space<semaphore_mem>>
        %dma_start3A_81 = arith.constant 0 : i32
        %dma_start3A_82 = tpu.memref_slice %arg6[%run_scoped3A_79, %dma_start3A_81] : memref<79x128xi32, #tpu.memory_space<vmem>> -> memref<1x128xi32, #tpu.memory_space<vmem>>
        %dma_start3A_83 = tpu.memref_squeeze %dma_start3A_82 : memref<1x128xi32, #tpu.memory_space<vmem>> -> memref<128xi32, #tpu.memory_space<vmem>>
        %dma_start3A_84 = arith.constant 0 : i32
        %dma_start3A_85 = arith.constant 0 : i32
        %dma_start3A_86 = tpu.memref_slice %arg11[%dma_start3A_84, %dma_start3A_85] : memref<10112x64xf32, #tpu.memory_space<vmem_shared>> -> memref<10112x64xf32, #tpu.memory_space<vmem_shared>>
        tpu.enqueue_indirect_dma source(%arg7 : memref<128x64xf32, #tpu.memory_space<vmem>>) target(%dma_start3A_86 : memref<10112x64xf32, #tpu.memory_space<vmem_shared>>) offsets(%dma_start3A_83 : memref<128xi32, #tpu.memory_space<vmem>>) semaphore(%run_scoped3A_80 : memref<!tpu.dma_semaphore, #tpu.memory_space<semaphore_mem>>) {add = true}
        %dma_wait3A_87 = arith.constant 0 : i32
        %dma_wait3A_88 = tpu.memref_slice %arg6[%run_scoped3A_79, %dma_wait3A_87] : memref<79x128xi32, #tpu.memory_space<vmem>> -> memref<1x128xi32, #tpu.memory_space<vmem>>
        %dma_wait3A_89 = tpu.memref_squeeze %dma_wait3A_88 : memref<1x128xi32, #tpu.memory_space<vmem>> -> memref<128xi32, #tpu.memory_space<vmem>>
        %dma_wait3A_90 = arith.constant 0 : i32
        %dma_wait3A_91 = arith.constant 0 : i32
        %dma_wait3A_92 = tpu.memref_slice %arg11[%dma_wait3A_90, %dma_wait3A_91] : memref<10112x64xf32, #tpu.memory_space<vmem_shared>> -> memref<10112x64xf32, #tpu.memory_space<vmem_shared>>
        tpu.wait_indirect_dma semaphore(%run_scoped3A_80 : memref<!tpu.dma_semaphore, #tpu.memory_space<semaphore_mem>>) src(%arg7 : memref<128x64xf32, #tpu.memory_space<vmem>>) dst(%dma_wait3A_92 : memref<10112x64xf32, #tpu.memory_space<vmem_shared>>)
        tpu.yield
      }) : () -> ()
    } else {
    }
    %barrier3A_67 = arith.constant 0 : index
    tpu.barrier barrier_id(%barrier3A_67)
    %mul3A_68 = arith.constant 632 : i32
    %mul3A_69 = arith.muli %arg1, %mul3A_68 : i32
    %mul3A_70 = arith.constant 632 : i32
    %mul3A_71 = arith.muli %arg1, %mul3A_70 : i32
    "tpu.region"() ({
      %run_scoped3A_72 = tpu.sem_alloc : memref<!tpu.dma_semaphore, #tpu.memory_space<semaphore_mem>>
      %dma_start3A_73 = arith.constant 0 : i32
      %dma_start3A_74 = tpu.memref_slice %arg4[%arg0, %mul3A_71, %dma_start3A_73] : memref<2x10112x64xf32, #tpu.memory_space<hbm>> -> memref<1x632x64xf32, #tpu.memory_space<hbm>>
      %dma_start3A_75 = tpu.memref_squeeze %dma_start3A_74 : memref<1x632x64xf32, #tpu.memory_space<hbm>> -> memref<632x64xf32, #tpu.memory_space<hbm>>
      %dma_start3A_76 = arith.constant 0 : i32
      %dma_start3A_77 = tpu.memref_slice %arg11[%mul3A_69, %dma_start3A_76] : memref<10112x64xf32, #tpu.memory_space<vmem_shared>> -> memref<632x64xf32, #tpu.memory_space<vmem_shared>>
      tpu.enqueue_dma source(%dma_start3A_77 : memref<632x64xf32, #tpu.memory_space<vmem_shared>>) target(%dma_start3A_75 : memref<632x64xf32, #tpu.memory_space<hbm>>) target_semaphore(%run_scoped3A_72 : memref<!tpu.dma_semaphore, #tpu.memory_space<semaphore_mem>>)
      %dma_wait3A_78 = arith.constant 0 : i32
      %dma_wait3A_79 = tpu.memref_slice %arg4[%arg0, %mul3A_71, %dma_wait3A_78] : memref<2x10112x64xf32, #tpu.memory_space<hbm>> -> memref<1x632x64xf32, #tpu.memory_space<hbm>>
      %dma_wait3A_80 = tpu.memref_squeeze %dma_wait3A_79 : memref<1x632x64xf32, #tpu.memory_space<hbm>> -> memref<632x64xf32, #tpu.memory_space<hbm>>
      %dma_wait3A_81 = arith.constant 0 : i32
      %dma_wait3A_82 = tpu.memref_slice %arg11[%mul3A_69, %dma_wait3A_81] : memref<10112x64xf32, #tpu.memory_space<vmem_shared>> -> memref<632x64xf32, #tpu.memory_space<vmem_shared>>
      tpu.wait_dma2 semaphore(%run_scoped3A_72 : memref<!tpu.dma_semaphore, #tpu.memory_space<semaphore_mem>>) src(%dma_wait3A_82 : memref<632x64xf32, #tpu.memory_space<vmem_shared>>) dst(%dma_wait3A_80 : memref<632x64xf32, #tpu.memory_space<hbm>>)
      tpu.yield
    }) : () -> ()
    return
  }
}

#map = affine_map<(d0, d1) -> (0, 0, 0)>
#map1 = affine_map<(d0, d1) -> (0, 0)>
module attributes {stable_mosaic.version = 14 : i64} {
  func.func @_deg_body(%arg0: i32, %arg1: i32, %arg2: memref<2x2500x128xi32, #tpu.memory_space<hbm>>, %arg3: memref<10112x16xi16, #tpu.memory_space<hbm>>, %arg4: memref<128x16xi16, #tpu.memory_space<hbm>>, %arg5: memref<2x10112x16xi16, #tpu.memory_space<hbm>>, %arg6: memref<79x128xi32, #tpu.memory_space<vmem>>, %arg7: memref<128x16xi16, #tpu.memory_space<vmem>>, %arg8: memref<10112x16xi16, #tpu.memory_space<vmem_shared>>) attributes {dimension_semantics = [#tpu.dimension_semantics<core_parallel>, #tpu.dimension_semantics<subcore_parallel>], iteration_bounds = array<i64: 2, 16>, scalar_prefetch = 0 : i64, scratch_operands = 3 : i64, tpu.core_type = #tpu.core_type<sc_vector_subcore>, window_params = [{transform_indices = #map}, {transform_indices = #map1}, {transform_indices = #map1}, {transform_indices = #map}]} {
    %mul3A = arith.constant 16 : i32
    %mul3A_0 = arith.muli %arg0, %mul3A : i32
    %add3A = arith.addi %mul3A_0, %arg1 : i32
    %mul3A_1 = arith.constant 78 : i32
    %mul3A_2 = arith.muli %add3A, %mul3A_1 : i32
    %min3A = arith.constant 4 : i32
    %min3A_3 = arith.minsi %add3A, %min3A : i32
    %add3A_4 = arith.addi %mul3A_2, %min3A_3 : i32
    %lt3A = arith.constant 4 : i32
    %lt3A_5 = arith.cmpi slt, %add3A, %lt3A : i32
    %run_scoped3A = arith.constant 1 : i32
    "tpu.region"() ({
      %run_scoped3A_23 = tpu.sem_alloc : memref<!tpu.dma_semaphore, #tpu.memory_space<semaphore_mem>>
      %dma_start3A = arith.constant 0 : i32
      %dma_start3A_24 = arith.constant 0 : i32
      %dma_start3A_25 = tpu.memref_slice %arg6[%dma_start3A, %dma_start3A_24] : memref<79x128xi32, #tpu.memory_space<vmem>> -> memref<78x128xi32, #tpu.memory_space<vmem>>
      %dma_start3A_26 = arith.constant 0 : i32
      %dma_start3A_27 = tpu.memref_slice %arg2[%run_scoped3A, %add3A_4, %dma_start3A_26] : memref<2x2500x128xi32, #tpu.memory_space<hbm>> -> memref<1x78x128xi32, #tpu.memory_space<hbm>>
      %dma_start3A_28 = tpu.memref_squeeze %dma_start3A_27 : memref<1x78x128xi32, #tpu.memory_space<hbm>> -> memref<78x128xi32, #tpu.memory_space<hbm>>
      %dma_start3A_29 = arith.constant 0 : i32
      %dma_start3A_30 = arith.constant 0 : i32
      %dma_start3A_31 = tpu.memref_slice %arg6[%dma_start3A_29, %dma_start3A_30] : memref<79x128xi32, #tpu.memory_space<vmem>> -> memref<78x128xi32, #tpu.memory_space<vmem>>
      %dma_start3A_32 = arith.constant 0 : i32
      %dma_start3A_33 = tpu.memref_slice %arg2[%run_scoped3A, %add3A_4, %dma_start3A_32] : memref<2x2500x128xi32, #tpu.memory_space<hbm>> -> memref<1x78x128xi32, #tpu.memory_space<hbm>>
      %dma_start3A_34 = tpu.memref_squeeze %dma_start3A_33 : memref<1x78x128xi32, #tpu.memory_space<hbm>> -> memref<78x128xi32, #tpu.memory_space<hbm>>
      tpu.enqueue_dma source(%dma_start3A_34 : memref<78x128xi32, #tpu.memory_space<hbm>>) target(%dma_start3A_31 : memref<78x128xi32, #tpu.memory_space<vmem>>) target_semaphore(%run_scoped3A_23 : memref<!tpu.dma_semaphore, #tpu.memory_space<semaphore_mem>>)
      %dma_wait3A = arith.constant 0 : i32
      %dma_wait3A_35 = arith.constant 0 : i32
      %dma_wait3A_36 = tpu.memref_slice %arg6[%dma_wait3A, %dma_wait3A_35] : memref<79x128xi32, #tpu.memory_space<vmem>> -> memref<78x128xi32, #tpu.memory_space<vmem>>
      %dma_wait3A_37 = arith.constant 0 : i32
      %dma_wait3A_38 = tpu.memref_slice %arg2[%run_scoped3A, %add3A_4, %dma_wait3A_37] : memref<2x2500x128xi32, #tpu.memory_space<hbm>> -> memref<1x78x128xi32, #tpu.memory_space<hbm>>
      %dma_wait3A_39 = tpu.memref_squeeze %dma_wait3A_38 : memref<1x78x128xi32, #tpu.memory_space<hbm>> -> memref<78x128xi32, #tpu.memory_space<hbm>>
      %dma_wait3A_40 = arith.constant 0 : i32
      %dma_wait3A_41 = arith.constant 0 : i32
      %dma_wait3A_42 = tpu.memref_slice %arg6[%dma_wait3A_40, %dma_wait3A_41] : memref<79x128xi32, #tpu.memory_space<vmem>> -> memref<78x128xi32, #tpu.memory_space<vmem>>
      %dma_wait3A_43 = arith.constant 0 : i32
      %dma_wait3A_44 = tpu.memref_slice %arg2[%run_scoped3A, %add3A_4, %dma_wait3A_43] : memref<2x2500x128xi32, #tpu.memory_space<hbm>> -> memref<1x78x128xi32, #tpu.memory_space<hbm>>
      %dma_wait3A_45 = tpu.memref_squeeze %dma_wait3A_44 : memref<1x78x128xi32, #tpu.memory_space<hbm>> -> memref<78x128xi32, #tpu.memory_space<hbm>>
      tpu.wait_dma2 semaphore(%run_scoped3A_23 : memref<!tpu.dma_semaphore, #tpu.memory_space<semaphore_mem>>) src(%dma_wait3A_45 : memref<78x128xi32, #tpu.memory_space<hbm>>) dst(%dma_wait3A_42 : memref<78x128xi32, #tpu.memory_space<vmem>>)
      tpu.yield
    }) : () -> ()
    %convert_element_type3A = arith.extui %lt3A_5 : i1 to i32
    %cond3A = arith.constant 0 : i32
    %cond3A_6 = arith.cmpi ne, %convert_element_type3A, %cond3A : i32
    scf.if %cond3A_6 {
      %add3A_23 = arith.constant 78 : i32
      %add3A_24 = arith.addi %add3A_4, %add3A_23 : i32
      %run_scoped3A_25 = arith.constant 1 : i32
      "tpu.region"() ({
        %run_scoped3A_26 = tpu.sem_alloc : memref<!tpu.dma_semaphore, #tpu.memory_space<semaphore_mem>>
        %dma_start3A = arith.constant 78 : i32
        %dma_start3A_27 = arith.constant 0 : i32
        %dma_start3A_28 = tpu.memref_slice %arg6[%dma_start3A, %dma_start3A_27] : memref<79x128xi32, #tpu.memory_space<vmem>> -> memref<1x128xi32, #tpu.memory_space<vmem>>
        %dma_start3A_29 = arith.constant 0 : i32
        %dma_start3A_30 = tpu.memref_slice %arg2[%run_scoped3A_25, %add3A_24, %dma_start3A_29] : memref<2x2500x128xi32, #tpu.memory_space<hbm>> -> memref<1x1x128xi32, #tpu.memory_space<hbm>>
        %dma_start3A_31 = tpu.memref_squeeze %dma_start3A_30 : memref<1x1x128xi32, #tpu.memory_space<hbm>> -> memref<1x128xi32, #tpu.memory_space<hbm>>
        %dma_start3A_32 = arith.constant 78 : i32
        %dma_start3A_33 = arith.constant 0 : i32
        %dma_start3A_34 = tpu.memref_slice %arg6[%dma_start3A_32, %dma_start3A_33] : memref<79x128xi32, #tpu.memory_space<vmem>> -> memref<1x128xi32, #tpu.memory_space<vmem>>
        %dma_start3A_35 = arith.constant 0 : i32
        %dma_start3A_36 = tpu.memref_slice %arg2[%run_scoped3A_25, %add3A_24, %dma_start3A_35] : memref<2x2500x128xi32, #tpu.memory_space<hbm>> -> memref<1x1x128xi32, #tpu.memory_space<hbm>>
        %dma_start3A_37 = tpu.memref_squeeze %dma_start3A_36 : memref<1x1x128xi32, #tpu.memory_space<hbm>> -> memref<1x128xi32, #tpu.memory_space<hbm>>
        tpu.enqueue_dma source(%dma_start3A_37 : memref<1x128xi32, #tpu.memory_space<hbm>>) target(%dma_start3A_34 : memref<1x128xi32, #tpu.memory_space<vmem>>) target_semaphore(%run_scoped3A_26 : memref<!tpu.dma_semaphore, #tpu.memory_space<semaphore_mem>>)
        %dma_wait3A = arith.constant 78 : i32
        %dma_wait3A_38 = arith.constant 0 : i32
        %dma_wait3A_39 = tpu.memref_slice %arg6[%dma_wait3A, %dma_wait3A_38] : memref<79x128xi32, #tpu.memory_space<vmem>> -> memref<1x128xi32, #tpu.memory_space<vmem>>
        %dma_wait3A_40 = arith.constant 0 : i32
        %dma_wait3A_41 = tpu.memref_slice %arg2[%run_scoped3A_25, %add3A_24, %dma_wait3A_40] : memref<2x2500x128xi32, #tpu.memory_space<hbm>> -> memref<1x1x128xi32, #tpu.memory_space<hbm>>
        %dma_wait3A_42 = tpu.memref_squeeze %dma_wait3A_41 : memref<1x1x128xi32, #tpu.memory_space<hbm>> -> memref<1x128xi32, #tpu.memory_space<hbm>>
        %dma_wait3A_43 = arith.constant 78 : i32
        %dma_wait3A_44 = arith.constant 0 : i32
        %dma_wait3A_45 = tpu.memref_slice %arg6[%dma_wait3A_43, %dma_wait3A_44] : memref<79x128xi32, #tpu.memory_space<vmem>> -> memref<1x128xi32, #tpu.memory_space<vmem>>
        %dma_wait3A_46 = arith.constant 0 : i32
        %dma_wait3A_47 = tpu.memref_slice %arg2[%run_scoped3A_25, %add3A_24, %dma_wait3A_46] : memref<2x2500x128xi32, #tpu.memory_space<hbm>> -> memref<1x1x128xi32, #tpu.memory_space<hbm>>
        %dma_wait3A_48 = tpu.memref_squeeze %dma_wait3A_47 : memref<1x1x128xi32, #tpu.memory_space<hbm>> -> memref<1x128xi32, #tpu.memory_space<hbm>>
        tpu.wait_dma2 semaphore(%run_scoped3A_26 : memref<!tpu.dma_semaphore, #tpu.memory_space<semaphore_mem>>) src(%dma_wait3A_48 : memref<1x128xi32, #tpu.memory_space<hbm>>) dst(%dma_wait3A_45 : memref<1x128xi32, #tpu.memory_space<vmem>>)
        tpu.yield
      }) : () -> ()
    } else {
    }
    "tpu.region"() ({
      %run_scoped3A_23 = tpu.sem_alloc : memref<!tpu.dma_semaphore, #tpu.memory_space<semaphore_mem>>
      tpu.enqueue_dma source(%arg4 : memref<128x16xi16, #tpu.memory_space<hbm>>) target(%arg7 : memref<128x16xi16, #tpu.memory_space<vmem>>) target_semaphore(%run_scoped3A_23 : memref<!tpu.dma_semaphore, #tpu.memory_space<semaphore_mem>>)
      tpu.wait_dma2 semaphore(%run_scoped3A_23 : memref<!tpu.dma_semaphore, #tpu.memory_space<semaphore_mem>>) src(%arg4 : memref<128x16xi16, #tpu.memory_space<hbm>>) dst(%arg7 : memref<128x16xi16, #tpu.memory_space<vmem>>)
      tpu.yield
    }) : () -> ()
    %mul3A_7 = arith.constant 632 : i32
    %mul3A_8 = arith.muli %arg1, %mul3A_7 : i32
    %mul3A_9 = arith.constant 632 : i32
    %mul3A_10 = arith.muli %arg1, %mul3A_9 : i32
    "tpu.region"() ({
      %run_scoped3A_23 = tpu.sem_alloc : memref<!tpu.dma_semaphore, #tpu.memory_space<semaphore_mem>>
      %dma_start3A = arith.constant 0 : i32
      %dma_start3A_24 = tpu.memref_slice %arg8[%mul3A_10, %dma_start3A] : memref<10112x16xi16, #tpu.memory_space<vmem_shared>> -> memref<632x16xi16, #tpu.memory_space<vmem_shared>>
      %dma_start3A_25 = arith.constant 0 : i32
      %dma_start3A_26 = tpu.memref_slice %arg3[%mul3A_8, %dma_start3A_25] : memref<10112x16xi16, #tpu.memory_space<hbm>> -> memref<632x16xi16, #tpu.memory_space<hbm>>
      tpu.enqueue_dma source(%dma_start3A_26 : memref<632x16xi16, #tpu.memory_space<hbm>>) target(%dma_start3A_24 : memref<632x16xi16, #tpu.memory_space<vmem_shared>>) target_semaphore(%run_scoped3A_23 : memref<!tpu.dma_semaphore, #tpu.memory_space<semaphore_mem>>)
      %dma_wait3A = arith.constant 0 : i32
      %dma_wait3A_27 = tpu.memref_slice %arg8[%mul3A_10, %dma_wait3A] : memref<10112x16xi16, #tpu.memory_space<vmem_shared>> -> memref<632x16xi16, #tpu.memory_space<vmem_shared>>
      %dma_wait3A_28 = arith.constant 0 : i32
      %dma_wait3A_29 = tpu.memref_slice %arg3[%mul3A_8, %dma_wait3A_28] : memref<10112x16xi16, #tpu.memory_space<hbm>> -> memref<632x16xi16, #tpu.memory_space<hbm>>
      tpu.wait_dma2 semaphore(%run_scoped3A_23 : memref<!tpu.dma_semaphore, #tpu.memory_space<semaphore_mem>>) src(%dma_wait3A_29 : memref<632x16xi16, #tpu.memory_space<hbm>>) dst(%dma_wait3A_27 : memref<632x16xi16, #tpu.memory_space<vmem_shared>>)
      tpu.yield
    }) : () -> ()
    %barrier3A = arith.constant 0 : index
    tpu.barrier barrier_id(%barrier3A)
    %scan3A = arith.constant 0 : i32
    %scan3A_11 = arith.constant 78 : i32
    %scan3A_12 = arith.addi %scan3A, %scan3A_11 : i32
    %scan3A_13 = arith.constant 1 : i32
    scf.for %scan3A_23 = %scan3A to %scan3A_12 step %scan3A_13  : i32 {
      %mul3A_24 = arith.constant 1 : i32
      %mul3A_25 = arith.muli %scan3A_23, %mul3A_24 : i32
      %add3A_26 = arith.constant 0 : i32
      %add3A_27 = arith.addi %add3A_26, %mul3A_25 : i32
      "tpu.region"() ({
        %run_scoped3A_28 = tpu.sem_alloc : memref<!tpu.dma_semaphore, #tpu.memory_space<semaphore_mem>>
        %dma_start3A = arith.constant 0 : i32
        %dma_start3A_29 = tpu.memref_slice %arg6[%add3A_27, %dma_start3A] : memref<79x128xi32, #tpu.memory_space<vmem>> -> memref<1x128xi32, #tpu.memory_space<vmem>>
        %dma_start3A_30 = tpu.memref_squeeze %dma_start3A_29 : memref<1x128xi32, #tpu.memory_space<vmem>> -> memref<128xi32, #tpu.memory_space<vmem>>
        %dma_start3A_31 = arith.constant 0 : i32
        %dma_start3A_32 = arith.constant 0 : i32
        %dma_start3A_33 = tpu.memref_slice %arg8[%dma_start3A_31, %dma_start3A_32] : memref<10112x16xi16, #tpu.memory_space<vmem_shared>> -> memref<10112x16xi16, #tpu.memory_space<vmem_shared>>
        tpu.enqueue_indirect_dma source(%arg7 : memref<128x16xi16, #tpu.memory_space<vmem>>) target(%dma_start3A_33 : memref<10112x16xi16, #tpu.memory_space<vmem_shared>>) offsets(%dma_start3A_30 : memref<128xi32, #tpu.memory_space<vmem>>) semaphore(%run_scoped3A_28 : memref<!tpu.dma_semaphore, #tpu.memory_space<semaphore_mem>>) {add = true}
        %dma_wait3A = arith.constant 0 : i32
        %dma_wait3A_34 = tpu.memref_slice %arg6[%add3A_27, %dma_wait3A] : memref<79x128xi32, #tpu.memory_space<vmem>> -> memref<1x128xi32, #tpu.memory_space<vmem>>
        %dma_wait3A_35 = tpu.memref_squeeze %dma_wait3A_34 : memref<1x128xi32, #tpu.memory_space<vmem>> -> memref<128xi32, #tpu.memory_space<vmem>>
        %dma_wait3A_36 = arith.constant 0 : i32
        %dma_wait3A_37 = arith.constant 0 : i32
        %dma_wait3A_38 = tpu.memref_slice %arg8[%dma_wait3A_36, %dma_wait3A_37] : memref<10112x16xi16, #tpu.memory_space<vmem_shared>> -> memref<10112x16xi16, #tpu.memory_space<vmem_shared>>
        tpu.wait_indirect_dma semaphore(%run_scoped3A_28 : memref<!tpu.dma_semaphore, #tpu.memory_space<semaphore_mem>>) src(%arg7 : memref<128x16xi16, #tpu.memory_space<vmem>>) dst(%dma_wait3A_38 : memref<10112x16xi16, #tpu.memory_space<vmem_shared>>)
        tpu.yield
      }) : () -> ()
    }
    %scan3A_14 = arith.constant 78 : i32
    %convert_element_type3A_15 = arith.extui %lt3A_5 : i1 to i32
    %cond3A_16 = arith.constant 0 : i32
    %cond3A_17 = arith.cmpi ne, %convert_element_type3A_15, %cond3A_16 : i32
    scf.if %cond3A_17 {
      %run_scoped3A_23 = arith.constant 78 : i32
      "tpu.region"() ({
        %run_scoped3A_24 = tpu.sem_alloc : memref<!tpu.dma_semaphore, #tpu.memory_space<semaphore_mem>>
        %dma_start3A = arith.constant 0 : i32
        %dma_start3A_25 = tpu.memref_slice %arg6[%run_scoped3A_23, %dma_start3A] : memref<79x128xi32, #tpu.memory_space<vmem>> -> memref<1x128xi32, #tpu.memory_space<vmem>>
        %dma_start3A_26 = tpu.memref_squeeze %dma_start3A_25 : memref<1x128xi32, #tpu.memory_space<vmem>> -> memref<128xi32, #tpu.memory_space<vmem>>
        %dma_start3A_27 = arith.constant 0 : i32
        %dma_start3A_28 = arith.constant 0 : i32
        %dma_start3A_29 = tpu.memref_slice %arg8[%dma_start3A_27, %dma_start3A_28] : memref<10112x16xi16, #tpu.memory_space<vmem_shared>> -> memref<10112x16xi16, #tpu.memory_space<vmem_shared>>
        tpu.enqueue_indirect_dma source(%arg7 : memref<128x16xi16, #tpu.memory_space<vmem>>) target(%dma_start3A_29 : memref<10112x16xi16, #tpu.memory_space<vmem_shared>>) offsets(%dma_start3A_26 : memref<128xi32, #tpu.memory_space<vmem>>) semaphore(%run_scoped3A_24 : memref<!tpu.dma_semaphore, #tpu.memory_space<semaphore_mem>>) {add = true}
        %dma_wait3A = arith.constant 0 : i32
        %dma_wait3A_30 = tpu.memref_slice %arg6[%run_scoped3A_23, %dma_wait3A] : memref<79x128xi32, #tpu.memory_space<vmem>> -> memref<1x128xi32, #tpu.memory_space<vmem>>
        %dma_wait3A_31 = tpu.memref_squeeze %dma_wait3A_30 : memref<1x128xi32, #tpu.memory_space<vmem>> -> memref<128xi32, #tpu.memory_space<vmem>>
        %dma_wait3A_32 = arith.constant 0 : i32
        %dma_wait3A_33 = arith.constant 0 : i32
        %dma_wait3A_34 = tpu.memref_slice %arg8[%dma_wait3A_32, %dma_wait3A_33] : memref<10112x16xi16, #tpu.memory_space<vmem_shared>> -> memref<10112x16xi16, #tpu.memory_space<vmem_shared>>
        tpu.wait_indirect_dma semaphore(%run_scoped3A_24 : memref<!tpu.dma_semaphore, #tpu.memory_space<semaphore_mem>>) src(%arg7 : memref<128x16xi16, #tpu.memory_space<vmem>>) dst(%dma_wait3A_34 : memref<10112x16xi16, #tpu.memory_space<vmem_shared>>)
        tpu.yield
      }) : () -> ()
    } else {
    }
    %barrier3A_18 = arith.constant 0 : index
    tpu.barrier barrier_id(%barrier3A_18)
    %mul3A_19 = arith.constant 632 : i32
    %mul3A_20 = arith.muli %arg1, %mul3A_19 : i32
    %mul3A_21 = arith.constant 632 : i32
    %mul3A_22 = arith.muli %arg1, %mul3A_21 : i32
    "tpu.region"() ({
      %run_scoped3A_23 = tpu.sem_alloc : memref<!tpu.dma_semaphore, #tpu.memory_space<semaphore_mem>>
      %dma_start3A = arith.constant 0 : i32
      %dma_start3A_24 = tpu.memref_slice %arg5[%arg0, %mul3A_22, %dma_start3A] : memref<2x10112x16xi16, #tpu.memory_space<hbm>> -> memref<1x632x16xi16, #tpu.memory_space<hbm>>
      %dma_start3A_25 = tpu.memref_squeeze %dma_start3A_24 : memref<1x632x16xi16, #tpu.memory_space<hbm>> -> memref<632x16xi16, #tpu.memory_space<hbm>>
      %dma_start3A_26 = arith.constant 0 : i32
      %dma_start3A_27 = tpu.memref_slice %arg8[%mul3A_20, %dma_start3A_26] : memref<10112x16xi16, #tpu.memory_space<vmem_shared>> -> memref<632x16xi16, #tpu.memory_space<vmem_shared>>
      tpu.enqueue_dma source(%dma_start3A_27 : memref<632x16xi16, #tpu.memory_space<vmem_shared>>) target(%dma_start3A_25 : memref<632x16xi16, #tpu.memory_space<hbm>>) target_semaphore(%run_scoped3A_23 : memref<!tpu.dma_semaphore, #tpu.memory_space<semaphore_mem>>)
      %dma_wait3A = arith.constant 0 : i32
      %dma_wait3A_28 = tpu.memref_slice %arg5[%arg0, %mul3A_22, %dma_wait3A] : memref<2x10112x16xi16, #tpu.memory_space<hbm>> -> memref<1x632x16xi16, #tpu.memory_space<hbm>>
      %dma_wait3A_29 = tpu.memref_squeeze %dma_wait3A_28 : memref<1x632x16xi16, #tpu.memory_space<hbm>> -> memref<632x16xi16, #tpu.memory_space<hbm>>
      %dma_wait3A_30 = arith.constant 0 : i32
      %dma_wait3A_31 = tpu.memref_slice %arg8[%mul3A_20, %dma_wait3A_30] : memref<10112x16xi16, #tpu.memory_space<vmem_shared>> -> memref<632x16xi16, #tpu.memory_space<vmem_shared>>
      tpu.wait_dma2 semaphore(%run_scoped3A_23 : memref<!tpu.dma_semaphore, #tpu.memory_space<semaphore_mem>>) src(%dma_wait3A_31 : memref<632x16xi16, #tpu.memory_space<vmem_shared>>) dst(%dma_wait3A_29 : memref<632x16xi16, #tpu.memory_space<hbm>>)
      tpu.yield
    }) : () -> ()
    return
  }
}

module attributes {stable_mosaic.version = 14 : i64} {
  func.func @_tch_body(%arg0: memref<10000x128xf32, #tpu.memory_space<vmem>>, %arg1: memref<128x64xf32, #tpu.memory_space<vmem>>, %arg2: memref<10000x64xf32, #tpu.memory_space<vmem>>) attributes {dimension_semantics = [], scalar_prefetch = 0 : i64, scratch_operands = 0 : i64, tpu.core_type = #tpu.core_type<tc>} {
    %get3A = arith.constant 0 : index
    %get3A_0 = arith.constant 0 : index
    %get3A_1 = vector.load %arg0[%get3A, %get3A_0] : memref<10000x128xf32, #tpu.memory_space<vmem>>, vector<10000x128xf32>
    %get3A_2 = arith.constant 0 : index
    %get3A_3 = arith.constant 0 : index
    %get3A_4 = vector.load %arg1[%get3A_2, %get3A_3] : memref<128x64xf32, #tpu.memory_space<vmem>>, vector<128x64xf32>
    %dot_general3A = arith.constant dense<0.000000e+00> : vector<10000x64xf32>
    %dot_general3A_5 = tpu.matmul %get3A_1, %get3A_4, %dot_general3A {dimension_numbers = #tpu.dot_dimension_numbers<[1], [0], [0], [1], [0, 0, 1, 1], [], []>, transpose_lhs_hint = false} : vector<10000x128xf32>, vector<128x64xf32>, vector<10000x64xf32> -> vector<10000x64xf32>
    %swap3A = arith.constant 0 : index
    %swap3A_6 = arith.constant 0 : index
    %swap3A_7 = vector.load %arg2[%swap3A, %swap3A_6] : memref<10000x64xf32, #tpu.memory_space<vmem>>, vector<10000x64xf32>
    tpu.vector_store %arg2[%swap3A, %swap3A_6], %dot_general3A_5 {strides = array<i32>} : memref<10000x64xf32, #tpu.memory_space<vmem>>, vector<10000x64xf32>,
    return
  }
}

module attributes {stable_mosaic.version = 14 : i64} {
  func.func @_tcg_body(%arg0: memref<10000x64xf32, #tpu.memory_space<vmem>>, %arg1: memref<2x10112x16xi16, #tpu.memory_space<vmem>>, %arg2: memref<10000x64xf32, #tpu.memory_space<vmem>>, %arg3: memref<10000x1xf32, #tpu.memory_space<vmem>>) attributes {dimension_semantics = [], scalar_prefetch = 0 : i64, scratch_operands = 0 : i64, tpu.core_type = #tpu.core_type<tc>} {
    %get3A = arith.constant 0 : index
    %get3A_0 = arith.constant 0 : index
    %get3A_1 = arith.constant 0 : index
    %get3A_2 = vector.load %arg1[%get3A, %get3A_0, %get3A_1] : memref<2x10112x16xi16, #tpu.memory_space<vmem>>, vector<1x10000x1xi16>
    %get3A_3 = vector.shape_cast %get3A_2 : vector<1x10000x1xi16> to vector<10000xi16>
    %get3A_4 = arith.constant 1 : index
    %get3A_5 = arith.constant 0 : index
    %get3A_6 = arith.constant 0 : index
    %get3A_7 = vector.load %arg1[%get3A_4, %get3A_5, %get3A_6] : memref<2x10112x16xi16, #tpu.memory_space<vmem>>, vector<1x10000x1xi16>
    %get3A_8 = vector.shape_cast %get3A_7 : vector<1x10000x1xi16> to vector<10000xi16>
    %add3A = arith.addi %get3A_3, %get3A_8 : vector<10000xi16>
    %convert_element_type3A = arith.sitofp %add3A : vector<10000xi16> to vector<10000xf32>
    %add3A_9 = arith.constant 1.000000e+00 : f32
    %add3A_10 = vector.broadcast %add3A_9 : f32 to vector<10000xf32>
    %add3A_11 = arith.addf %convert_element_type3A, %add3A_10 : vector<10000xf32>
    %rsqrt3A = math.rsqrt %add3A_11 : vector<10000xf32>
    %get3A_12 = arith.constant 0 : index
    %get3A_13 = arith.constant 0 : index
    %get3A_14 = vector.load %arg0[%get3A_12, %get3A_13] : memref<10000x64xf32, #tpu.memory_space<vmem>>, vector<10000x64xf32>
    %broadcast_in_dim3A = vector.shape_cast %rsqrt3A : vector<10000xf32> to vector<10000x1xf32>
    %mul3A = vector.broadcast %broadcast_in_dim3A : vector<10000x1xf32> to vector<10000x64xf32>
    %mul3A_15 = arith.mulf %get3A_14, %mul3A : vector<10000x64xf32>
    %swap3A = arith.constant 0 : index
    %swap3A_16 = arith.constant 0 : index
    %swap3A_17 = vector.load %arg2[%swap3A, %swap3A_16] : memref<10000x64xf32, #tpu.memory_space<vmem>>, vector<10000x64xf32>
    tpu.vector_store %arg2[%swap3A, %swap3A_16], %mul3A_15 {strides = array<i32>} : memref<10000x64xf32, #tpu.memory_space<vmem>>, vector<10000x64xf32>,
    %broadcast_in_dim3A_18 = vector.shape_cast %rsqrt3A : vector<10000xf32> to vector<10000x1xf32>
    %swap3A_19 = arith.constant 0 : index
    %swap3A_20 = arith.constant 0 : index
    %swap3A_21 = vector.load %arg3[%swap3A_19, %swap3A_20] : memref<10000x1xf32, #tpu.memory_space<vmem>>, vector<10000x1xf32>
    tpu.vector_store %arg3[%swap3A_19, %swap3A_20], %broadcast_in_dim3A_18 {strides = array<i32>} : memref<10000x1xf32, #tpu.memory_space<vmem>>, vector<10000x1xf32>,
    return
  }
}

module attributes {stable_mosaic.version = 14 : i64} {
  func.func @_tc2_body(%arg0: memref<2x10112x64xf32, #tpu.memory_space<vmem>>, %arg1: memref<10000x64xf32, #tpu.memory_space<vmem>>, %arg2: memref<10000x1xf32, #tpu.memory_space<vmem>>, %arg3: memref<1x64xf32, #tpu.memory_space<vmem>>, %arg4: memref<64x1xf32, #tpu.memory_space<vmem>>, %arg5: memref<1x1xf32, #tpu.memory_space<vmem>>, %arg6: memref<10000x1xf32, #tpu.memory_space<vmem>>) attributes {dimension_semantics = [], scalar_prefetch = 0 : i64, scratch_operands = 0 : i64, tpu.core_type = #tpu.core_type<tc>} {
    %get3A = arith.constant 0 : index
    %get3A_0 = arith.constant 0 : index
    %get3A_1 = arith.constant 0 : index
    %get3A_2 = vector.load %arg0[%get3A, %get3A_0, %get3A_1] : memref<2x10112x64xf32, #tpu.memory_space<vmem>>, vector<1x10000x64xf32>
    %get3A_3 = vector.shape_cast %get3A_2 : vector<1x10000x64xf32> to vector<10000x64xf32>
    %get3A_4 = arith.constant 1 : index
    %get3A_5 = arith.constant 0 : index
    %get3A_6 = arith.constant 0 : index
    %get3A_7 = vector.load %arg0[%get3A_4, %get3A_5, %get3A_6] : memref<2x10112x64xf32, #tpu.memory_space<vmem>>, vector<1x10000x64xf32>
    %get3A_8 = vector.shape_cast %get3A_7 : vector<1x10000x64xf32> to vector<10000x64xf32>
    %add3A = arith.addf %get3A_3, %get3A_8 : vector<10000x64xf32>
    %get3A_9 = arith.constant 0 : index
    %get3A_10 = arith.constant 0 : index
    %get3A_11 = vector.load %arg1[%get3A_9, %get3A_10] : memref<10000x64xf32, #tpu.memory_space<vmem>>, vector<10000x64xf32>
    %add3A_12 = arith.addf %add3A, %get3A_11 : vector<10000x64xf32>
    %get3A_13 = arith.constant 0 : index
    %get3A_14 = arith.constant 0 : index
    %get3A_15 = vector.load %arg2[%get3A_13, %get3A_14] : memref<10000x1xf32, #tpu.memory_space<vmem>>, vector<10000x1xf32>
    %mul3A = vector.broadcast %get3A_15 : vector<10000x1xf32> to vector<10000x64xf32>
    %mul3A_16 = arith.mulf %mul3A, %add3A_12 : vector<10000x64xf32>
    %get3A_17 = arith.constant 0 : index
    %get3A_18 = arith.constant 0 : index
    %get3A_19 = vector.load %arg3[%get3A_17, %get3A_18] : memref<1x64xf32, #tpu.memory_space<vmem>>, vector<1x64xf32>
    %add3A_20 = vector.broadcast %get3A_19 : vector<1x64xf32> to vector<10000x64xf32>
    %add3A_21 = arith.addf %mul3A_16, %add3A_20 : vector<10000x64xf32>
    %max3A = arith.constant 0.000000e+00 : f32
    %max3A_22 = vector.broadcast %max3A : f32 to vector<10000x64xf32>
    %max3A_23 = arith.maximumf %add3A_21, %max3A_22 : vector<10000x64xf32>
    %get3A_24 = arith.constant 0 : index
    %get3A_25 = arith.constant 0 : index
    %get3A_26 = vector.load %arg4[%get3A_24, %get3A_25] : memref<64x1xf32, #tpu.memory_space<vmem>>, vector<64x1xf32>
    %dot_general3A = arith.constant dense<0.000000e+00> : vector<10000x1xf32>
    %dot_general3A_27 = tpu.matmul %max3A_23, %get3A_26, %dot_general3A {dimension_numbers = #tpu.dot_dimension_numbers<[1], [0], [0], [1], [0, 0, 1, 1], [], []>, transpose_lhs_hint = false} : vector<10000x64xf32>, vector<64x1xf32>, vector<10000x1xf32> -> vector<10000x1xf32>
    %get3A_28 = arith.constant 0 : index
    %get3A_29 = arith.constant 0 : index
    %get3A_30 = vector.load %arg5[%get3A_28, %get3A_29] : memref<1x1xf32, #tpu.memory_space<vmem>>, vector<1x1xf32>
    %add3A_31 = vector.broadcast %get3A_30 : vector<1x1xf32> to vector<10000x1xf32>
    %add3A_32 = arith.addf %dot_general3A_27, %add3A_31 : vector<10000x1xf32>
    %swap3A = arith.constant 0 : index
    %swap3A_33 = arith.constant 0 : index
    %swap3A_34 = vector.load %arg6[%swap3A, %swap3A_33] : memref<10000x1xf32, #tpu.memory_space<vmem>>, vector<10000x1xf32>
    tpu.vector_store %arg6[%swap3A, %swap3A_33], %add3A_32 {strides = array<i32>} : memref<10000x1xf32, #tpu.memory_space<vmem>>, vector<10000x1xf32>,
    return
  }
}

</mosaic_0001>

<sc_bundles>
// kernel: kernel.10.cloned.1.call-start
scs
__scs_entry_jumppad:
0x0: {  	(pc) =	sbr.rel $0x88, $3  }
0x1: {  	(tag) =	ssettag $0x0;
	lr =	simm.s32 $0x1  }
0x2: {  	[smem:$0x3F9B] =	sst lr;
	_ =	strace $0xD0000000  }
0x3: {  	_ = 	snop  }
0x4: {  	_ = 	snop  }
0x5: {  	_ = 	snop  }
0x6: {  	_ = 	snop  }
0x7: {  	_ = 	snop  }
__scs_overlays_trampoline_lowered:
0x8: {  	[smem:$0x3FAA] =	sst s0  }
0x9: {  	[smem:$0x3FAB] =	sst s1  }
0xa: {  	[smem:$0x3FAC] =	sst s2  }
0xb: {  	[smem:$0x3FAD] =	sst s3  }
0xc: {  	[smem:$0x3FAE] =	sst s4  }
0xd: {  	[smem:$0x3FAF] =	sst s5  }
0xe: {  	[smem:$0x3FB0] =	sst s6  }
0xf: {  	[smem:$0x3FB1] =	sst s7  }
0x10: {  	[smem:$0x3FB2] =	sst s8  }
0x11: {  	[smem:$0x3FB3] =	sst s9;
	s0 =	simm.s32 @!p0 $0x0  }
0x12: {  	s1 =	sld [smem:$0x3F99];
	s0 =	simm.s32 @p0 $0x1  }
0x13: {  	[smem:$0x3FB4] =	sst s0;
	s0 =	simm.s32 @!p1 $0x0  }
0x14: {  	s2 =	sld [smem:$0x3F98];
	s0 =	simm.s32 @p1 $0x1  }
0x15: {  	[smem:$0x3FB5] =	sst s0;
	s0 =	simm.s32 @!p2 $0x0  }
0x16: {  	s3 =	sld [smem:$0x3FDB];
	s0 =	simm.s32 @p2 $0x1  }
0x17: {  	s4 =	simm.s32 $0x1BF5;
	[smem:$0x3FB7] =	sst s0  }
0x18: {  	s0 =	sld [smem:$0x3F9A];
	_ =	swait.ge [sflag:s4], $0x0  }
0x19: {  	s7 =	sld [smem:$0x3F9B]  }
0x1a: {  	s8 =	sadd.s32 $0xFFFFE003, lr  }
0x1b: {  	s9 =	sadd.s32 $0xFFFFFEF7, lr;
	s5 =	simm.s32 $0xFFFFFFFF;
	p2 =	slt.u32 s8, $0xFFFFF086  }
0x1c: {  	p1 =	slt.u32 s9, $0xF7A;
	s5 =	simm.s32 @!p2 $0x0  }
0x1d: {  	s5 =	simm.s32 @p1 $0x1;
	p0 =	seq.s32 s7, s2  }
0x1e: {  	s7 =	smul.u32 @!p0 $0xF7A, s2;
	p2 =	seq.s32 @!p0 s5, $0x0  }
0x1f: {  	s9 =	smul.u32 $0xF7A, s1;
	s8 =	simm.s32 @!p0 $0x1BF5;
	p2 =	por !p2, p0  }
0x20: {  	[sflag:s8] =	ssyncset.s32 @!p0 $0xFFFFF086;
	s6 =	sadd.s32 @!p0 s3, s7;
	s7 =	simm.s32 @!p0 $0x108  }
0x21: {  	s3 =	sadd.s32 s3, s9;
	s6 =	sadd.s32 @!p0 $0x88, s6;
	s7 =	simm.s32 @p2 $0x1082  }
0x22: {  	[simem:s7], [sflag:s8] =	dma.local @!p0 [hbm:s6], $0xF7A  }
0x23: {  	s9 =	sor.u32 $0xD0000000, s2;
	s6 =	simm.s32 $0x108;
	_ =	swait.ge @!p0 [sflag:s8], $0x0  }
0x24: {  	s3 =	sadd.s32 $0x88, s3;
	s6 =	simm.s32 @!p1 $0x1082;
	[sflag:s4] =	ssyncset.s32 $0xFFFFF086  }
0x25: {  	[simem:s6], [sflag:s4] =	dma.local [hbm:s3], $0xF7A  }
0x26: {  	[smem:$0x3F9B] =	sst s1;
	(tag) =	ssettag s2;
	_ =	strace s9  }
0x27: {  	s1 =	sld [smem:$0x3FAB]  }
0x28: {  	s2 =	sld [smem:$0x3FAC]  }
0x29: {  	s4 =	sld [smem:$0x3FAE]  }
0x2a: {  	p0 =	seq.s32 s5, $0x0;
	s5 =	sld [smem:$0x3FAF]  }
0x2b: {  	s6 =	sld [smem:$0x3FB0]  }
0x2c: {  	s7 =	sld [smem:$0x3FB1]  }
0x2d: {  	s3 =	simm.s32 $0x108;
	s8 =	sld [smem:$0x3FB2]  }
0x2e: {  	s3 =	simm.s32 @!p0 $0x1082;
	s9 =	sld [smem:$0x3FB3]  }
0x2f: {  	lr =	sadd.s32 s0, s3;
	s0 =	sld [smem:$0x3FAA]  }
0x30: {  	s3 =	sld [smem:$0x3FAD]  }
0x31: {  	[smem:$0x3FB6] =	sst s10  }
0x32: {  	s10 =	sld [smem:$0x3FB4];
	_ =	sdelay $0x3  }
0x33: {  	p0 =	seq.s32 s10, $0x1;
	s10 =	sld [smem:$0x3FB6];
	_ =	sdelay $0x3  }
0x34: {  	[smem:$0x3FB6] =	sst s10  }
0x35: {  	s10 =	sld [smem:$0x3FB5];
	_ =	sdelay $0x3  }
0x36: {  	p1 =	seq.s32 s10, $0x1;
	s10 =	sld [smem:$0x3FB6];
	_ =	sdelay $0x3  }
0x37: {  	[smem:$0x3FB6] =	sst s10  }
0x38: {  	s10 =	sld [smem:$0x3FB7]  }
0x39: {  	_ = 	snop;
	(pc) =	sbr.ind lr, $3  }
0x3a: {  	_ = 	snop  }
0x3b: {  	_ = 	snop  }
0x3c: {  	p2 =	seq.s32 s10, $0x1;
	s10 =	sld [smem:$0x3FB6]  }
0x3d: {  	_ =	shalt  }
0x3e: {  	_ =	shalt  }
0x3f: {  	_ =	shalt  }
0x40: {  	_ =	shalt  }
0x41: {  	_ =	shalt  }
0x42: {  	_ =	shalt  }
0x43: {  	_ =	shalt  }
0x44: {  	_ =	shalt  }
0x45: {  	_ =	shalt  }
0x46: {  	_ =	shalt  }
0x47: {  	_ =	shalt  }
0x48: {  	_ =	shalt  }
0x49: {  	_ =	shalt  }
0x4a: {  	_ =	shalt  }
0x4b: {  	_ =	shalt  }
0x4c: {  	_ =	shalt  }
0x4d: {  	_ =	shalt  }
0x4e: {  	_ =	shalt  }
0x4f: {  	_ =	shalt  }
0x50: {  	_ =	shalt  }
0x51: {  	_ =	shalt  }
0x52: {  	_ =	shalt  }
0x53: {  	_ =	shalt  }
0x54: {  	_ =	shalt  }
0x55: {  	_ =	shalt  }
0x56: {  	_ =	shalt  }
0x57: {  	_ =	shalt  }
0x58: {  	_ =	shalt  }
0x59: {  	_ =	shalt  }
0x5a: {  	_ =	shalt  }
0x5b: {  	_ =	shalt  }
0x5c: {  	_ =	shalt  }
0x5d: {  	_ =	shalt  }
0x5e: {  	_ =	shalt  }
0x5f: {  	_ =	shalt  }
0x60: {  	_ =	shalt  }
0x61: {  	_ =	shalt  }
0x62: {  	_ =	shalt  }
0x63: {  	_ =	shalt  }
0x64: {  	_ =	shalt  }
0x65: {  	_ =	shalt  }
0x66: {  	_ =	shalt  }
0x67: {  	_ =	shalt  }
0x68: {  	_ =	shalt  }
0x69: {  	_ =	shalt  }
0x6a: {  	_ =	shalt  }
0x6b: {  	_ =	shalt  }
0x6c: {  	_ =	shalt  }
0x6d: {  	_ =	shalt  }
0x6e: {  	_ =	shalt  }
0x6f: {  	_ =	shalt  }
0x70: {  	_ =	shalt  }
0x71: {  	_ =	shalt  }
0x72: {  	_ =	shalt  }
0x73: {  	_ =	shalt  }
0x74: {  	_ =	shalt  }
0x75: {  	_ =	shalt  }
0x76: {  	_ =	shalt  }
0x77: {  	_ =	shalt  }
0x78: {  	_ =	shalt  }
0x79: {  	_ =	shalt  }
0x7a: {  	_ =	shalt  }
0x7b: {  	_ =	shalt  }
0x7c: {  	_ =	shalt  }
0x7d: {  	_ =	shalt  }
0x7e: {  	_ =	shalt  }
0x7f: {  	_ =	shalt  }
0x80: {  	_ =	shalt  }
0x81: {  	_ =	shalt  }
0x82: {  	_ =	shalt  }
0x83: {  	_ =	shalt  }
0x84: {  	_ =	shalt  }
0x85: {  	_ =	shalt  }
0x86: {  	_ =	shalt  }
0x87: {  	_ =	shalt  }
.Lfunc_end0:
.L_simem_size_0:
called_computation.1_lowered:
.L_overlay_start_0:
0x88: {  	s2 =	sld [smem:$0x3FD9]  }
0x89: {  	s3 =	sld [smem:$0x3FFE];
	_ =	sdelay $0x1  }
0x8a: {  	s1 =	srdreg.scid  }
0x8b: {  	s0 =	sand.u32 $0x1, s1  }
0x8c: {  	s16 =	sshll.u32 s0, $0xA;
	s2 =	sadd.s32 s3, s2  }
0x8d: {  	s2 =	sadd.s32 s2, s16  }
0x8e: {  	[smem:$0x3FC2] =	sst s2  }
0x8f: {  	_ = 	snop  }
0x90: {  	(tm) =	ssettm $0x1  }
0x91: {  	s17 =	sld [smem:$0x3FFB];
	_ =	sdelay $0x3  }
0x92: {  	_ =	strace s17  }
0x93: {  	s2 =	sld [smem:$0x3FFC];
	_ =	sdelay $0x3  }
0x94: {  	_ =	strace s2  }
0x95: {  	s2 =	sld [smem:$0x3FFD];
	_ =	sdelay $0x3  }
0x96: {  	_ =	strace s2  }
0x97: {  	_ =	strace $0x8FFFFFFF  }
0x98: {  	s18 =	sld [smem:$0x3FDB];
	_ =	sdelay $0x1  }
0x99: {  	s19 =	simm.s32 $_scs_section_size  }
0x9a: {  	s4 =	simm.s32 $_size__tile_overlayer_lowered;
	s5 =	simm.s32 $_tile_overlayer_lowered  }
0x9b: {  	s22 =	simm.s32 $0x1BFF;
	s21 =	sshll.u32 s5, $0x1;
	s2 =	sadd.s32 s19, s18  }
0x9c: {  	s6 =	simm.s32 $0x0;
	s20 =	sshll.u32 s4, $0x1;
	s4 =	sadd.s32 s21, s2  }
0x9d: {  	[timem:s6], [sflag:s22] =	dma.local [hbm:s4], s20  }
0x9e: {  	_ =	swait.ge [sflag:s22], s20  }
0x9f: {  	s3 =	ssub.s32 $0x0, s20;
	[sflag:s22] =	ssyncset.done $0x0  }
0xa0: {  	[sflag:s22] =	ssyncadd.s32 s3;
	_ =	sdelay $0x1  }
0xa1: {  	s23 =	simm.s32 $0x1B8B  }
0xa2: {  	_ =	swait.ge [sflag:s23], $0x1  }
0xa3: {  	[sflag:s23] =	ssyncset.done $0x0  }
0xa4: {  	s25 =	simm.s32 $0x1B8E;
	s24 =	sld [smem:$0x3FFE];
	[sflag:s23] =	ssyncadd.s32 $0xFFFFFFFF  }
0xa5: {  	s26 =	simm.s32 $execute0_lowered;
	[smem:$0x3FD2] =	sst s25  }
0xa6: {  	s4 =	sshll.u32 s26, $0x1;
	_ =	strace $0x80000049;
	[dreg:$0x1] =	wrdreg $0xFFFFFFFF  }
0xa7: {  	s28 =	simm.s32 $_size_execute0_lowered;
	s2 =	sadd.s32 s2, s4;
	[dreg:$0x0] =	wrdreg $0x0  }
0xa8: {  	s4 =	sshll.u32 s28, $0x1;
	[dreg:$0x2] =	wrdreg s2  }
0xa9: {  	[dreg:$0x3] =	wrdreg s4  }
0xaa: {  	[dreg:$0x4] =	wrdreg $0xC0  }
0xab: {  	_ =	task [dreg:s6], $0x5FFFF  }
0xac: {  	[dreg:$0x1] =	wrdreg $0xFFFFFFFF  }
0xad: {  	[dreg:$0x0] =	wrdreg $0x60  }
0xae: {  	[dreg:$0x2] =	wrdreg s24  }
0xaf: {  	[dreg:$0x3] =	wrdreg $0xB6800  }
0xb0: {  	[dreg:$0x4] =	wrdreg $0x152C00  }
0xb1: {  	[dreg:$0x5] =	wrdreg $0x9  }
0xb2: {  	_ =	task.clear_ibuf [dreg:s6], $0x6FFFF;
	_ =	strace $0x90000049  }
0xb3: {  	s29 =	simm.s32 $0x9;
	_ =	strace $0x8000004B  }
0xb4: {  	_ =	swait.ge [sflag:s29], $0x1  }
0xb5: {  	[sflag:s29] =	ssyncadd.s32 $0xFFFFFFFF  }
0xb6: {  	_ =	strace $0x9000004B  }
0xb7: {  	_ =	sfence  }
0xb8: {  	s30 =	sld [smem:$0x0];
	_ =	sdelay $0x2  }
0xb9: {  	s31 =	sshll.u32 s1, $0xD;
	s1 =	sshrl.u32 s1, $0x2  }
0xba: {  	s3 =	sand.u32 $0x4000, s31;
	s1 =	sadd.s32 s1, s30  }
0xbb: {  	s0 =	sor.u32 s3, s0;
	s1 =	sshll.u32 s1, $0x11  }
0xbc: {  	s0 =	sor.u32 s1, s0  }
0xbd: {  	s0 =	sadd.s32 $0x8F2B, s0  }
0xbe: {  	[sflag:s0] =	ssyncadd.remote.s32 $0x1  }
0xbf: {  	_ =	sfence.sel $0xFFFF  }
0xc0: {  	[dreg:$0x0] =	wrdreg $0xFFFFFFFF;
	(pc) =	sbr.abs _section_cstart, $3  }
0xc1: {  	[dreg:$0x1] =	wrdreg $0xFFFFFFFF  }
0xc2: {  	_ =	task.clear_ibuf [dreg:s6], $0x2FFFF;
	_ =	strace $0x9FFFFFFF  }
0xc3: {  	(tm) =	ssettm $0x7FFFFFFF  }
tec
execute0_lowered:
.L_overlay_start_1:
0x0: {  	(tag) =	ssettag $0x1  }
0x1: {  	s5 =	rddreg [dreg:$0x0]  }
0x2: {  	s2 =	rddreg [dreg:$0x1]  }
0x3: {  	s0 =	srdreg.scid;
	s3 =	rddreg [dreg:$0x2]  }
0x4: {  	s4 =	simm.s32 $0x0;
	s6 =	sand.u32 $0x1, s0;
	s0 =	stileid.u32  }
0x5: {  	s20 =	simm.s32 $0x8F00;
	s21 =	simm.s32 $0x1;
	s9 =	smul.u32 $0x9C40, s0  }
0x6: {  	s22 =	simm.s32 $0x80;
	s28 =	simm.s32 $0x0;
	s10 =	smul.u32 $0x9E00, s0  }
0x7: {  	[smem:$0x7FF] =	sst s4;
	s1 =	sshll.u32 s6, $0x4;
	s12 =	smul.u32 $0x9E000, s6  }
0x8: {  	_ =	strace $0x8000004A;
	s6 =	ssub.s32 $0x2, s6;
	s29 =	smul.u32 $0x27800, s0  }
0x9: {  	s16 =	sshll.u32 s0, $0x6;
	s17 =	sor.u32 s0, s1;
	s26 =	sshrl.u32 s6, $0x1  }
0xa: {  	s18 =	sor.u32 $0x1C01, s16;
	s7 =	smul.u32 $0x4E, s17;
	s8 =	sshrl.u32 s9, $0x3  }
0xb: {  	s11 =	smin.u32 s17, $0x4;
	s23 =	sadd.s32 s10, s12;
	s15 =	ssub.s32 s6, s26  }
0xc: {  	s19 =	sadd.s32 s9, s2;
	s30 =	sshrl.u32 s29, $0x2;
	s10 =	sadd.s32 s10, s3  }
0xd: {  	p0 =	sgt.u32 s17, $0x3;
	s17 =	simm.s32 $0x3;
	s26 =	simm.s32 $0x4D80  }
0xe: {  	s13 =	sadd.s32 s8, s5;
	s25 =	sshrl.u32 s23, $0x3;
	s31 =	sadd.s32 s30, s3  }
0xf: {  	s15 =	smax.u32 s15, $0x1;
	s19 =	sshrl.u32 s19, $0x3;
	s23 =	simm.s32 $0x4F00  }
0x10: {  	s7 =	sadd.s32 s11, s7;
	s14 =	sadd.s32 s25, s5;
	s9 =	sadd.s32 $0x15200, s13  }
0x11: {  	s11 =	sadd.s32 $0x2780, s31;
	s12 =	sadd.s32 $0x4F00, s31;
	s7 =	sshll.u32 s7, $0x4  }
0x12: {  	s13 =	sadd.s32 $0x7680, s31;
	s25 =	simm.s32 $0x2;
	s24 =	sadd.s32 s7, s5  }
0x13: {  	s14 =	sadd.s32 $0x28C00, s14;
	s5 =	sadd.s32 $0x1800, s24;
	s6 =	sadd.s32 $0xB440, s24  }
0x14: {  	v0 =	vimm.f32 $0.0e+00;
	s7 =	sadd.s32 $0x1CE0, s24;
	s8 =	sadd.s32 $0xB920, s24;
	s24 =	simm.s32 $0x6F00  }
.LBB2_1:
0x15: {  	[tilespmem:s4], [sflag:$0x3] =	stream.linear.gather [hbm4b:s5+s4], $0x2700, $0x38;
	[tilespmem:$0x1F0C0] =	vst v63  }
0x16: {  	_ =	swait.ge [sflag:s17], $0x2700  }
0x17: {  	[sflag:s17] =	ssyncset.done $0x0  }
0x18: {  	s29 =	simm.s32 @p0 $0x0;
	s30 =	simm.s32 @p0 $0x2780;
	[sflag:s17] =	ssyncadd.s32 $0xFFFFD900  }
0x19: {  	[tilespmem:s30], [sflag:$0x3] =	stream.linear.gather @p0 [hbm4b:s6+s29], $0x2700, $0x38;
	[tilespmem:$0x1F0C0] =	vst v63  }
0x1a: {  	s29 =	simm.s32 @p0 $0x3  }
0x1b: {  	_ =	swait.ge @p0 [sflag:s29], $0x2700  }
0x1c: {  	[sflag:s29] =	ssyncset.done @p0 $0x0  }
0x1d: {  	s30 =	simm.s32 @!p0 $0x2700;
	[sflag:s29] =	ssyncadd.s32 @p0 $0xFFFFD900;
	s29 =	simm.s32 @!p0 $0x0  }
0x1e: {  	[tilespmem:s30], [sflag:$0x3] =	stream.linear.gather @!p0 [hbm4b:s7+s29], $0x80, $0x38;
	[tilespmem:$0x1F0C0] =	vst v63  }
0x1f: {  	s30 =	simm.s32 @!p0 $0x3  }
0x20: {  	_ =	swait.ge @!p0 [sflag:s30], $0x80  }
0x21: {  	[sflag:s30] =	ssyncset.done @!p0 $0x0  }
0x22: {  	s31 =	simm.s32 @!p0 $0x2780;
	[sflag:s30] =	ssyncadd.s32 @!p0 $0xFFFFFF80  }
0x23: {  	[tilespmem:s31], [sflag:$0x3] =	stream.linear.gather @!p0 [hbm4b:s6+s29], $0x2700, $0x38;
	[tilespmem:$0x1F0C0] =	vst v63  }
0x24: {  	_ =	swait.ge @!p0 [sflag:s30], $0x2700  }
0x25: {  	[sflag:s30] =	ssyncset.done @!p0 $0x0  }
0x26: {  	s31 =	simm.s32 @!p0 $0x4E80;
	[sflag:s30] =	ssyncadd.s32 @!p0 $0xFFFFD900  }
0x27: {  	[tilespmem:s31], [sflag:$0x3] =	stream.linear.gather @!p0 [hbm4b:s8+s29], $0x80, $0x38;
	[tilespmem:$0x1F0C0] =	vst v63  }
0x28: {  	_ =	swait.ge @!p0 [sflag:s30], $0x80  }
0x29: {  	[sflag:s30] =	ssyncset.done @!p0 $0x0  }
0x2a: {  	s29 =	simm.s32 $0x0;
	[sflag:s30] =	ssyncadd.s32 @!p0 $0xFFFFFF80;
	s30 =	simm.s32 $0x100  }
0x2b: {  	[spmem:s19], [sflag:s18] =	dma.local [hbm:s9], $0x1388  }
.LBB2_2:
0x2c: {  	p1 =	sne.s32 s30, $0x9D00;
	[tilespmem:s29+$0x8F30] =	vst v0;
	s31 =	smov.u32 s30;
	s30 =	sadd.s32 $0x100, s30  }
.Ltmp0:
0x2d: {  	[tilespmem:s29+$0x8F20] =	vst v0;
	(pc) =	sbr.rel @p1 .LBB2_2-.Ltmp0, $3  }
0x2e: {  	[tilespmem:s29+$0x8F00] =	vst v0  }
0x2f: {  	[tilespmem:s29+$0x8F10] =	vst v0;
	_ =	sdelay $0x1  }
0x30: {  	s29 =	sshra.s32 s31, $0x2  }
0x31: {  	[tilespmem:s29+$0x8F30] =	vst v0  }
0x32: {  	[tilespmem:s29+$0x8F20] =	vst v0  }
0x33: {  	[tilespmem:s29+$0x8F00] =	vst v0  }
0x34: {  	[tilespmem:s29+$0x8F10] =	vst v0  }
0x35: {  	[spmem:s10] =	stream.linear.scatter [tilespmem:s20], [sflag:$0x3], $0x2780, $0x38;
	[tilespmem:$0x1F0C0] =	vst v63  }
0x36: {  	_ =	swait.ge [sflag:s17], $0x2780  }
0x37: {  	[sflag:s17] =	ssyncset.done $0x0  }
0x38: {  	[sflag:s17] =	ssyncadd.s32 $0xFFFFD880  }
0x39: {  	[spmem:s11] =	stream.linear.scatter [tilespmem:s20], [sflag:$0x3], $0x2780, $0x38;
	[tilespmem:$0x1F0C0] =	vst v63  }
0x3a: {  	_ =	swait.ge [sflag:s17], $0x2780  }
0x3b: {  	[sflag:s17] =	ssyncset.done $0x0  }
0x3c: {  	[sflag:s17] =	ssyncadd.s32 $0xFFFFD880  }
0x3d: {  	[spmem:s12] =	stream.linear.scatter [tilespmem:s20], [sflag:$0x3], $0x2780, $0x38;
	[tilespmem:$0x1F0C0] =	vst v63  }
0x3e: {  	_ =	swait.ge [sflag:s17], $0x2780  }
0x3f: {  	[sflag:s17] =	ssyncset.done $0x0  }
0x40: {  	[sflag:s17] =	ssyncadd.s32 $0xFFFFD880  }
0x41: {  	[spmem:s13] =	stream.linear.scatter [tilespmem:s20], [sflag:$0x3], $0x2780, $0x38;
	[tilespmem:$0x1F0C0] =	vst v63  }
0x42: {  	_ =	swait.ge [sflag:s17], $0x2780  }
0x43: {  	[sflag:s17] =	ssyncset.done $0x0  }
0x44: {  	[sflag:s17] =	ssyncadd.s32 $0xFFFFD880  }
0x45: {  	_ =	swait.ge [sflag:s21], $0x1388  }
0x46: {  	[sflag:s21] =	ssyncset.done $0x0  }
0x47: {  	[sflag:s21] =	ssyncadd.s32 $0xFFFFEC78  }
0x48: {  	s29 =	simm.s32 $0x0;
	[bflag:$0x0] =	sbarrier.arrive $0xFFFF  }
0x49: {  	[tilespmem:s23], [sflag:$0x1] =	stream.indirect.gather [spmem:s2], $0x40, s29, s22, $0xb8;
	[tilespmem:$0x1F0C0] =	vst v63  }
0x4a: {  	_ = 	snop  }
0x4b: {  	[tilespmem:s24], [sflag:$0x2] =	stream.indirect.gather [spmem:s2], $0x40, s22, s22, $0xb8;
	[tilespmem:$0x1F0C0] =	vst v63  }
0x4c: {  	_ =	swait.ge [sflag:s21], $0x2000  }
0x4d: {  	[sflag:s21] =	ssyncset.done $0x0  }
0x4e: {  	s29 =	simm.s32 $0x2780;
	[sflag:s21] =	ssyncadd.s32 $0xFFFFE000  }
0x4f: {  	[spmem:s3] =	stream.indirect.scatter.add.f32 [tilespmem:s23], [sflag:$0x3], $0x40, s29, s22, $0xb8;
	[tilespmem:$0x1F0C0] =	vst v63  }
0x50: {  	_ =	swait.ge [sflag:s17], $0x2000  }
0x51: {  	[sflag:s17] =	ssyncset.done $0x0  }
0x52: {  	s29 =	simm.s32 $0x100;
	[sflag:s17] =	ssyncadd.s32 $0xFFFFE000  }
0x53: {  	[tilespmem:s23], [sflag:$0x1] =	stream.indirect.gather [spmem:s2], $0x40, s29, s22, $0xb8;
	[tilespmem:$0x1F0C0] =	vst v63  }
0x54: {  	_ =	swait.ge [sflag:s25], $0x2000  }
0x55: {  	[sflag:s25] =	ssyncset.done $0x0  }
0x56: {  	s29 =	simm.s32 $0x2800;
	[sflag:s25] =	ssyncadd.s32 $0xFFFFE000  }
0x57: {  	[spmem:s3] =	stream.indirect.scatter.add.f32 [tilespmem:s24], [sflag:$0x3], $0x40, s29, s22, $0xb8;
	[tilespmem:$0x1F0C0] =	vst v63  }
0x58: {  	_ =	swait.ge [sflag:s17], $0x2000  }
0x59: {  	[sflag:s17] =	ssyncset.done $0x0  }
0x5a: {  	s30 =	simm.s32 $0x180;
	s29 =	simm.s32 $0x400;
	[sflag:s17] =	ssyncadd.s32 $0xFFFFE000  }
.LBB2_4:
0x5b: {  	[tilespmem:s24], [sflag:$0x2] =	stream.indirect.gather [spmem:s2], $0x40, s30, s22, $0xb8;
	[tilespmem:$0x1F0C0] =	vst v63  }
0x5c: {  	s30 =	smov.u32 s29  }
0x5d: {  	p1 =	sne.s32 s29, $0x9400;
	s29 =	sadd.s32 $0x400, s29;
	_ =	swait.ge [sflag:s21], $0x2000  }
0x5e: {  	s30 =	sshra.s32 s30, $0x2;
	[sflag:s21] =	ssyncset.done $0x0  }
0x5f: {  	s31 =	sadd.s32 $0x2780, s30;
	[sflag:s21] =	ssyncadd.s32 $0xFFFFE000  }
0x60: {  	[spmem:s3] =	stream.indirect.scatter.add.f32 [tilespmem:s23], [sflag:$0x3], $0x40, s31, s22, $0xb8;
	[tilespmem:$0x1F0C0] =	vst v63  }
0x61: {  	_ =	swait.ge [sflag:s17], $0x2000  }
0x62: {  	[sflag:s17] =	ssyncset.done $0x0  }
0x63: {  	s31 =	sadd.s32 $0x100, s30;
	[sflag:s17] =	ssyncadd.s32 $0xFFFFE000  }
0x64: {  	[tilespmem:s23], [sflag:$0x1] =	stream.indirect.gather [spmem:s2], $0x40, s31, s22, $0xb8;
	[tilespmem:$0x1F0C0] =	vst v63  }
0x65: {  	_ =	swait.ge [sflag:s25], $0x2000  }
0x66: {  	[sflag:s25] =	ssyncset.done $0x0  }
.Ltmp1:
0x67: {  	s31 =	sadd.s32 $0x2800, s30;
	[sflag:s25] =	ssyncadd.s32 $0xFFFFE000;
	(pc) =	sbr.rel @p1 .LBB2_4-.Ltmp1, $4  }
0x68: {  	[spmem:s3] =	stream.indirect.scatter.add.f32 [tilespmem:s24], [sflag:$0x3], $0x40, s31, s22, $0xb8;
	[tilespmem:$0x1F0C0] =	vst v63  }
0x69: {  	_ =	swait.ge [sflag:s17], $0x2000  }
0x6a: {  	[sflag:s17] =	ssyncset.done $0x0  }
0x6b: {  	s30 =	sadd.s32 $0x180, s30;
	[sflag:s17] =	ssyncadd.s32 $0xFFFFE000  }
0x6c: {  	[tilespmem:s24], [sflag:$0x2] =	stream.indirect.gather [spmem:s2], $0x40, s30, s22, $0xb8;
	[tilespmem:$0x1F0C0] =	vst v63  }
0x6d: {  	_ =	swait.ge [sflag:s21], $0x2000  }
0x6e: {  	[sflag:s21] =	ssyncset.done $0x0  }
0x6f: {  	[sflag:s21] =	ssyncadd.s32 $0xFFFFE000  }
0x70: {  	[spmem:s3] =	stream.indirect.scatter.add.f32 [tilespmem:s23], [sflag:$0x3], $0x40, s26, s22, $0xb8;
	[tilespmem:$0x1F0C0] =	vst v63  }
0x71: {  	_ =	swait.ge [sflag:s17], $0x2000  }
0x72: {  	[sflag:s17] =	ssyncset.done $0x0  }
0x73: {  	s29 =	simm.s32 @p0 $0x2;
	[sflag:s17] =	ssyncadd.s32 $0xFFFFE000  }
0x74: {  	_ =	swait.ge @p0 [sflag:s29], $0x2000  }
0x75: {  	s30 =	simm.s32 @p0 $0x4E00;
	[sflag:s29] =	ssyncset.done @p0 $0x0  }
0x76: {  	s31 =	simm.s32 @p0 $0x6F00;
	[sflag:s29] =	ssyncadd.s32 @p0 $0xFFFFE000;
	s29 =	simm.s32 @p0 $0x80  }
0x77: {  	[spmem:s3] =	stream.indirect.scatter.add.f32 @p0 [tilespmem:s31], [sflag:$0x3], $0x40, s30, s29, $0xb8;
	[tilespmem:$0x1F0C0] =	vst v63  }
0x78: {  	s29 =	simm.s32 @!p0 $0x80;
	s30 =	simm.s32 @!p0 $0x2700;
	s31 =	simm.s32 @!p0 $0x4F00  }
0x79: {  	[tilespmem:s31], [sflag:$0x1] =	stream.indirect.gather @!p0 [spmem:s2], $0x40, s30, s29, $0xb8;
	[tilespmem:$0x1F0C0] =	vst v63  }
0x7a: {  	s30 =	simm.s32 @!p0 $0x2  }
0x7b: {  	_ =	swait.ge @!p0 [sflag:s30], $0x2000  }
0x7c: {  	[sflag:s30] =	ssyncset.done @!p0 $0x0  }
0x7d: {  	s1 =	simm.s32 @!p0 $0x6F00;
	[sflag:s30] =	ssyncadd.s32 @!p0 $0xFFFFE000;
	s30 =	simm.s32 @!p0 $0x4E00  }
0x7e: {  	[spmem:s3] =	stream.indirect.scatter.add.f32 @!p0 [tilespmem:s1], [sflag:$0x3], $0x40, s30, s29, $0xb8;
	[tilespmem:$0x1F0C0] =	vst v63  }
0x7f: {  	s1 =	simm.s32 @!p0 $0x3  }
0x80: {  	_ =	swait.ge @!p0 [sflag:s1], $0x2000  }
0x81: {  	[sflag:s1] =	ssyncset.done @!p0 $0x0  }
0x82: {  	[sflag:s1] =	ssyncadd.s32 @!p0 $0xFFFFE000;
	s1 =	simm.s32 @!p0 $0x1  }
0x83: {  	_ =	swait.ge @!p0 [sflag:s1], $0x2000  }
0x84: {  	[sflag:s1] =	ssyncset.done @!p0 $0x0  }
0x85: {  	[sflag:s1] =	ssyncadd.s32 @!p0 $0xFFFFE000;
	s1 =	simm.s32 @!p0 $0x4E80  }
0x86: {  	[spmem:s3] =	stream.indirect.scatter.add.f32 @!p0 [tilespmem:s31], [sflag:$0x3], $0x40, s1, s29, $0xb8;
	[tilespmem:$0x1F0C0] =	vst v63  }
0x87: {  	_ =	swait.ge [sflag:s17], $0x2000  }
0x88: {  	s28 =	sadd.s32 $0x1, s28;
	[sflag:s17] =	ssyncset.done $0x0  }
0x89: {  	p1 =	sne.s32 s28, s15;
	s30 =	sor.u32 $0x1C03, s16;
	[sflag:s17] =	ssyncadd.s32 $0xFFFFE000  }
.Ltmp2:
0x8a: {  	s31 =	sshrl.u32 s10, $0x3;
	[bflag:$0x0] =	sbarrier.arrive $0xFFFF;
	(pc) =	sbr.rel @p1 .LBB2_1-.Ltmp2, $4  }
0x8b: {  	[hbm:s14], [sflag:s30] =	dma.local [spmem:s31], $0x13C0  }
0x8c: {  	_ =	swait.ge [sflag:s17], $0x13C0  }
0x8d: {  	[sflag:s17] =	ssyncset.done $0x0  }
0x8e: {  	[sflag:s17] =	ssyncadd.s32 $0xFFFFEC40  }
0x8f: {  	_ =	sfence.sel $0x180000  }
0x90: {  	[bflag:$0x0] =	sbarrier.arrive $0xFFFF  }
0x91: {  	_ =	strace $0x9000004A  }
0x92: {  	[bflag:$0x2] =	sbarrier.arrive $0xFFFF  }
0x93: {  	p0 =	sne.s32 s0, $0x0;
	s0 =	rddreg [dreg:$0x3]  }
0x94: {  	s0 =	sadd.s32 @!p0 $0x100000, s0  }
0x95: {  	[sflag:s0] =	ssyncadd.tile.s32 @!p0 $0x1;
	_ =	shalt  }
.Lfunc_end2:
_tile_overlayer_lowered:
.L_overlay_start_2:
0x96: {  	(tag) =	ssettag $0x2  }
0x97: {  	s0 =	rddreg [dreg:$0x0];
	s2 =	stileid.u32  }
0x98: {  	s1 =	rddreg [dreg:$0x1];
	p0 =	sne.s32 s2, $0x0  }
0x99: {  	s3 =	rddreg [dreg:$0x2];
	[bflag:$0x3] =	sbarrier.arrive $0xFFFF;
	s2 =	simm.s32 @!p0 $0x1C03  }
0x9a: {  	[timem:s3], [sflag:s2] =	dma.local @!p0 [hbm:s0], s1  }
0x9b: {  	s0 =	simm.s32 @!p0 $0x3  }
0x9c: {  	_ =	swait.ge @!p0 [sflag:s0], s1  }
0x9d: {  	s1 =	ssub.s32 @!p0 $0x0, s1;
	[sflag:s0] =	ssyncset.done @!p0 $0x0  }
0x9e: {  	[sflag:s0] =	ssyncadd.s32 @!p0 s1  }
0x9f: {  	[bflag:$0x3] =	sbarrier.arrive $0xFFFF  }
0xa0: {  	_ =	shalt  }

// kernel: kernel.7.cloned.1.call-start
scs
__scs_entry_jumppad:
0x0: {  	(pc) =	sbr.rel $0x88, $3  }
0x1: {  	(tag) =	ssettag $0x0;
	lr =	simm.s32 $0x1  }
0x2: {  	[smem:$0x3F9B] =	sst lr;
	_ =	strace $0xD0000000  }
0x3: {  	_ = 	snop  }
0x4: {  	_ = 	snop  }
0x5: {  	_ = 	snop  }
0x6: {  	_ = 	snop  }
0x7: {  	_ = 	snop  }
__scs_overlays_trampoline_lowered:
0x8: {  	[smem:$0x3FAA] =	sst s0  }
0x9: {  	[smem:$0x3FAB] =	sst s1  }
0xa: {  	[smem:$0x3FAC] =	sst s2  }
0xb: {  	[smem:$0x3FAD] =	sst s3  }
0xc: {  	[smem:$0x3FAE] =	sst s4  }
0xd: {  	[smem:$0x3FAF] =	sst s5  }
0xe: {  	[smem:$0x3FB0] =	sst s6  }
0xf: {  	[smem:$0x3FB1] =	sst s7  }
0x10: {  	[smem:$0x3FB2] =	sst s8  }
0x11: {  	[smem:$0x3FB3] =	sst s9;
	s0 =	simm.s32 @!p0 $0x0  }
0x12: {  	s1 =	sld [smem:$0x3F99];
	s0 =	simm.s32 @p0 $0x1  }
0x13: {  	[smem:$0x3FB4] =	sst s0;
	s0 =	simm.s32 @!p1 $0x0  }
0x14: {  	s2 =	sld [smem:$0x3F98];
	s0 =	simm.s32 @p1 $0x1  }
0x15: {  	[smem:$0x3FB5] =	sst s0;
	s0 =	simm.s32 @!p2 $0x0  }
0x16: {  	s3 =	sld [smem:$0x3FDB];
	s0 =	simm.s32 @p2 $0x1  }
0x17: {  	s4 =	simm.s32 $0x1BF5;
	[smem:$0x3FB7] =	sst s0  }
0x18: {  	s0 =	sld [smem:$0x3F9A];
	_ =	swait.ge [sflag:s4], $0x0  }
0x19: {  	s7 =	sld [smem:$0x3F9B]  }
0x1a: {  	s8 =	sadd.s32 $0xFFFFE003, lr  }
0x1b: {  	s9 =	sadd.s32 $0xFFFFFEF7, lr;
	s5 =	simm.s32 $0xFFFFFFFF;
	p2 =	slt.u32 s8, $0xFFFFF086  }
0x1c: {  	p1 =	slt.u32 s9, $0xF7A;
	s5 =	simm.s32 @!p2 $0x0  }
0x1d: {  	s5 =	simm.s32 @p1 $0x1;
	p0 =	seq.s32 s7, s2  }
0x1e: {  	s7 =	smul.u32 @!p0 $0xF7A, s2;
	p2 =	seq.s32 @!p0 s5, $0x0  }
0x1f: {  	s9 =	smul.u32 $0xF7A, s1;
	s8 =	simm.s32 @!p0 $0x1BF5;
	p2 =	por !p2, p0  }
0x20: {  	[sflag:s8] =	ssyncset.s32 @!p0 $0xFFFFF086;
	s6 =	sadd.s32 @!p0 s3, s7;
	s7 =	simm.s32 @!p0 $0x108  }
0x21: {  	s3 =	sadd.s32 s3, s9;
	s6 =	sadd.s32 @!p0 $0x88, s6;
	s7 =	simm.s32 @p2 $0x1082  }
0x22: {  	[simem:s7], [sflag:s8] =	dma.local @!p0 [hbm:s6], $0xF7A  }
0x23: {  	s9 =	sor.u32 $0xD0000000, s2;
	s6 =	simm.s32 $0x108;
	_ =	swait.ge @!p0 [sflag:s8], $0x0  }
0x24: {  	s3 =	sadd.s32 $0x88, s3;
	s6 =	simm.s32 @!p1 $0x1082;
	[sflag:s4] =	ssyncset.s32 $0xFFFFF086  }
0x25: {  	[simem:s6], [sflag:s4] =	dma.local [hbm:s3], $0xF7A  }
0x26: {  	[smem:$0x3F9B] =	sst s1;
	(tag) =	ssettag s2;
	_ =	strace s9  }
0x27: {  	s1 =	sld [smem:$0x3FAB]  }
0x28: {  	s2 =	sld [smem:$0x3FAC]  }
0x29: {  	s4 =	sld [smem:$0x3FAE]  }
0x2a: {  	p0 =	seq.s32 s5, $0x0;
	s5 =	sld [smem:$0x3FAF]  }
0x2b: {  	s6 =	sld [smem:$0x3FB0]  }
0x2c: {  	s7 =	sld [smem:$0x3FB1]  }
0x2d: {  	s3 =	simm.s32 $0x108;
	s8 =	sld [smem:$0x3FB2]  }
0x2e: {  	s3 =	simm.s32 @!p0 $0x1082;
	s9 =	sld [smem:$0x3FB3]  }
0x2f: {  	lr =	sadd.s32 s0, s3;
	s0 =	sld [smem:$0x3FAA]  }
0x30: {  	s3 =	sld [smem:$0x3FAD]  }
0x31: {  	[smem:$0x3FB6] =	sst s10  }
0x32: {  	s10 =	sld [smem:$0x3FB4];
	_ =	sdelay $0x3  }
0x33: {  	p0 =	seq.s32 s10, $0x1;
	s10 =	sld [smem:$0x3FB6];
	_ =	sdelay $0x3  }
0x34: {  	[smem:$0x3FB6] =	sst s10  }
0x35: {  	s10 =	sld [smem:$0x3FB5];
	_ =	sdelay $0x3  }
0x36: {  	p1 =	seq.s32 s10, $0x1;
	s10 =	sld [smem:$0x3FB6];
	_ =	sdelay $0x3  }
0x37: {  	[smem:$0x3FB6] =	sst s10  }
0x38: {  	s10 =	sld [smem:$0x3FB7]  }
0x39: {  	_ = 	snop;
	(pc) =	sbr.ind lr, $3  }
0x3a: {  	_ = 	snop  }
0x3b: {  	_ = 	snop  }
0x3c: {  	p2 =	seq.s32 s10, $0x1;
	s10 =	sld [smem:$0x3FB6]  }
0x3d: {  	_ =	shalt  }
0x3e: {  	_ =	shalt  }
0x3f: {  	_ =	shalt  }
0x40: {  	_ =	shalt  }
0x41: {  	_ =	shalt  }
0x42: {  	_ =	shalt  }
0x43: {  	_ =	shalt  }
0x44: {  	_ =	shalt  }
0x45: {  	_ =	shalt  }
0x46: {  	_ =	shalt  }
0x47: {  	_ =	shalt  }
0x48: {  	_ =	shalt  }
0x49: {  	_ =	shalt  }
0x4a: {  	_ =	shalt  }
0x4b: {  	_ =	shalt  }
0x4c: {  	_ =	shalt  }
0x4d: {  	_ =	shalt  }
0x4e: {  	_ =	shalt  }
0x4f: {  	_ =	shalt  }
0x50: {  	_ =	shalt  }
0x51: {  	_ =	shalt  }
0x52: {  	_ =	shalt  }
0x53: {  	_ =	shalt  }
0x54: {  	_ =	shalt  }
0x55: {  	_ =	shalt  }
0x56: {  	_ =	shalt  }
0x57: {  	_ =	shalt  }
0x58: {  	_ =	shalt  }
0x59: {  	_ =	shalt  }
0x5a: {  	_ =	shalt  }
0x5b: {  	_ =	shalt  }
0x5c: {  	_ =	shalt  }
0x5d: {  	_ =	shalt  }
0x5e: {  	_ =	shalt  }
0x5f: {  	_ =	shalt  }
0x60: {  	_ =	shalt  }
0x61: {  	_ =	shalt  }
0x62: {  	_ =	shalt  }
0x63: {  	_ =	shalt  }
0x64: {  	_ =	shalt  }
0x65: {  	_ =	shalt  }
0x66: {  	_ =	shalt  }
0x67: {  	_ =	shalt  }
0x68: {  	_ =	shalt  }
0x69: {  	_ =	shalt  }
0x6a: {  	_ =	shalt  }
0x6b: {  	_ =	shalt  }
0x6c: {  	_ =	shalt  }
0x6d: {  	_ =	shalt  }
0x6e: {  	_ =	shalt  }
0x6f: {  	_ =	shalt  }
0x70: {  	_ =	shalt  }
0x71: {  	_ =	shalt  }
0x72: {  	_ =	shalt  }
0x73: {  	_ =	shalt  }
0x74: {  	_ =	shalt  }
0x75: {  	_ =	shalt  }
0x76: {  	_ =	shalt  }
0x77: {  	_ =	shalt  }
0x78: {  	_ =	shalt  }
0x79: {  	_ =	shalt  }
0x7a: {  	_ =	shalt  }
0x7b: {  	_ =	shalt  }
0x7c: {  	_ =	shalt  }
0x7d: {  	_ =	shalt  }
0x7e: {  	_ =	shalt  }
0x7f: {  	_ =	shalt  }
0x80: {  	_ =	shalt  }
0x81: {  	_ =	shalt  }
0x82: {  	_ =	shalt  }
0x83: {  	_ =	shalt  }
0x84: {  	_ =	shalt  }
0x85: {  	_ =	shalt  }
0x86: {  	_ =	shalt  }
0x87: {  	_ =	shalt  }
.Lfunc_end0:
.L_simem_size_0:
called_computation_lowered:
.L_overlay_start_0:
0x88: {  	s2 =	sld [smem:$0x3FD9]  }
0x89: {  	s3 =	sld [smem:$0x3FFE];
	_ =	sdelay $0x1  }
0x8a: {  	s1 =	srdreg.scid  }
0x8b: {  	s0 =	sand.u32 $0x1, s1  }
0x8c: {  	s17 =	sshll.u32 s0, $0xA;
	s2 =	sadd.s32 s3, s2  }
0x8d: {  	s2 =	sadd.s32 s2, s17  }
0x8e: {  	[smem:$0x3FC2] =	sst s2  }
0x8f: {  	_ = 	snop  }
0x90: {  	s2 =	sld [smem:$0x3FD0];
	(tm) =	ssettm $0x1  }
0x91: {  	s18 =	sld [smem:$0x3FFB];
	_ =	sdelay $0x3  }
0x92: {  	_ =	strace s18  }
0x93: {  	s3 =	sld [smem:$0x3FFC];
	_ =	sdelay $0x3  }
0x94: {  	_ =	strace s3  }
0x95: {  	s3 =	sld [smem:$0x3FFD];
	_ =	sdelay $0x3  }
0x96: {  	_ =	strace s3  }
0x97: {  	_ =	strace $0x8FFFFFFF  }
0x98: {  	s19 =	sld [smem:$0x3FDB];
	_ =	sdelay $0x1  }
0x99: {  	s4 =	simm.s32 $_scs_section_size  }
0x9a: {  	s5 =	simm.s32 $_size__tile_overlayer_lowered;
	s6 =	simm.s32 $_tile_overlayer_lowered  }
0x9b: {  	s22 =	simm.s32 $0x1BFF;
	s21 =	sshll.u32 s6, $0x1;
	s3 =	sadd.s32 s4, s19  }
0x9c: {  	s7 =	simm.s32 $0x0;
	s20 =	sshll.u32 s5, $0x1;
	s5 =	sadd.s32 s21, s3  }
0x9d: {  	[timem:s7], [sflag:s22] =	dma.local [hbm:s5], s20  }
0x9e: {  	_ =	swait.ge [sflag:s22], s20  }
0x9f: {  	s4 =	ssub.s32 $0x0, s20;
	[sflag:s22] =	ssyncset.done $0x0  }
0xa0: {  	[sflag:s22] =	ssyncadd.s32 s4;
	_ =	sdelay $0x1  }
0xa1: {  	s23 =	simm.s32 $0x1B8B  }
0xa2: {  	_ =	swait.ge [sflag:s23], $0x1  }
0xa3: {  	[sflag:s23] =	ssyncset.done $0x0  }
0xa4: {  	s25 =	simm.s32 $0x1B8E;
	s24 =	sld [smem:$0x3FFE];
	[sflag:s23] =	ssyncadd.s32 $0xFFFFFFFF  }
0xa5: {  	s26 =	simm.s32 $execute0_lowered;
	[smem:$0x3FD2] =	sst s25  }
0xa6: {  	s5 =	sshll.u32 s26, $0x1;
	_ =	strace $0x80000046;
	[dreg:$0x1] =	wrdreg $0xFFFFFFFF  }
0xa7: {  	s28 =	simm.s32 $_size_execute0_lowered;
	s3 =	sadd.s32 s3, s5;
	[dreg:$0x0] =	wrdreg $0x0  }
0xa8: {  	s5 =	sshll.u32 s28, $0x1;
	[dreg:$0x2] =	wrdreg s3  }
0xa9: {  	[dreg:$0x3] =	wrdreg s5  }
0xaa: {  	[dreg:$0x4] =	wrdreg $0xC0  }
0xab: {  	_ =	task [dreg:s7], $0x5FFFF  }
0xac: {  	[dreg:$0x1] =	wrdreg $0xFFFFFFFF  }
0xad: {  	[dreg:$0x0] =	wrdreg $0x60  }
0xae: {  	[dreg:$0x2] =	wrdreg s24  }
0xaf: {  	[dreg:$0x3] =	wrdreg s2  }
0xb0: {  	[dreg:$0x4] =	wrdreg $0x2B800  }
0xb1: {  	[dreg:$0x5] =	wrdreg $0x9  }
0xb2: {  	_ =	task.clear_ibuf [dreg:s7], $0x6FFFF;
	_ =	strace $0x90000046  }
0xb3: {  	s29 =	simm.s32 $0x9;
	_ =	strace $0x80000048  }
0xb4: {  	_ =	swait.ge [sflag:s29], $0x1  }
0xb5: {  	[sflag:s29] =	ssyncadd.s32 $0xFFFFFFFF  }
0xb6: {  	_ =	strace $0x90000048  }
0xb7: {  	_ =	sfence  }
0xb8: {  	s30 =	sld [smem:$0x0];
	_ =	sdelay $0x2  }
0xb9: {  	s31 =	sshll.u32 s1, $0xD;
	s1 =	sshrl.u32 s1, $0x2  }
0xba: {  	s3 =	sand.u32 $0x4000, s31;
	s1 =	sadd.s32 s1, s30  }
0xbb: {  	s0 =	sor.u32 s3, s0;
	s1 =	sshll.u32 s1, $0x11  }
0xbc: {  	s0 =	sor.u32 s1, s0  }
0xbd: {  	s0 =	sadd.s32 $0x8F2B, s0  }
0xbe: {  	[sflag:s0] =	ssyncadd.remote.s32 $0x1  }
0xbf: {  	_ =	sfence.sel $0xFFFF  }
0xc0: {  	[dreg:$0x0] =	wrdreg $0xFFFFFFFF;
	(pc) =	sbr.abs _section_cstart, $3  }
0xc1: {  	[dreg:$0x1] =	wrdreg $0xFFFFFFFF  }
0xc2: {  	_ =	task.clear_ibuf [dreg:s7], $0x2FFFF;
	_ =	strace $0x9FFFFFFF  }
0xc3: {  	(tm) =	ssettm $0x7FFFFFFF  }
tec
execute0_lowered:
.L_overlay_start_1:
0x0: {  	(tag) =	ssettag $0x1  }
0x1: {  	s5 =	rddreg [dreg:$0x0]  }
0x2: {  	s0 =	srdreg.scid;
	s2 =	rddreg [dreg:$0x1]  }
0x3: {  	s3 =	rddreg [dreg:$0x2];
	s4 =	simm.s32 $0x0;
	s14 =	simm.s32 $0x80  }
0x4: {  	s15 =	simm.s32 $0x0;
	s6 =	sand.u32 $0x1, s0;
	s0 =	stileid.u32  }
0x5: {  	[smem:$0x7FF] =	sst s4;
	s1 =	sshll.u32 s6, $0x4;
	s9 =	smul.u32 $0x2780, s0  }
0x6: {  	s29 =	smul.u32 $0x27800, s6;
	s6 =	ssub.s32 $0x2, s6;
	s31 =	sshll.u32 s0, $0x6  }
0x7: {  	s10 =	sor.u32 s0, s1;
	s1 =	rddreg [dreg:$0x3];
	_ =	strace $0x80000047  }
0x8: {  	s12 =	sshrl.u32 s6, $0x1;
	s7 =	smul.u32 $0x4E, s10;
	s8 =	smin.u32 s10, $0x4  }
0x9: {  	s11 =	sshrl.u32 s9, $0x4;
	s12 =	ssub.s32 s6, s12;
	s30 =	sshrl.u32 s9, $0x1  }
0xa: {  	p0 =	sgt.u32 s10, $0x3;
	s10 =	simm.s32 $0x1;
	s11 =	sadd.s32 s11, s5  }
0xb: {  	s13 =	sadd.s32 s30, s3;
	s7 =	sadd.s32 s8, s7;
	s8 =	sadd.s32 s9, s29  }
0xc: {  	s9 =	smax.u32 s12, $0x1;
	s12 =	sor.u32 $0x1C01, s31;
	s7 =	sshll.u32 s7, $0x4  }
0xd: {  	s13 =	sshrl.u32 s13, $0x3;
	s8 =	sshrl.u32 s8, $0x4;
	s7 =	sadd.s32 s7, s5  }
0xe: {  	s8 =	sadd.s32 s8, s5;
	s5 =	sadd.s32 $0xB440, s7;
	s6 =	sadd.s32 $0xB920, s7  }
0xf: {  	s7 =	sadd.s32 $0x15200, s11;
	s8 =	sadd.s32 $0x17A00, s8;
	s11 =	simm.s32 $0x2780  }
.LBB2_1:
0x10: {  	[tilespmem:s4], [sflag:$0x1] =	stream.linear.gather [hbm4b:s5+s4], $0x2700, $0x38;
	[tilespmem:$0x3F40] =	vst v63  }
0x11: {  	_ =	swait.ge [sflag:s10], $0x2700  }
0x12: {  	[sflag:s10] =	ssyncset.done $0x0  }
0x13: {  	s16 =	simm.s32 @!p0 $0x0;
	s17 =	simm.s32 @!p0 $0x2700;
	[sflag:s10] =	ssyncadd.s32 $0xFFFFD900  }
0x14: {  	[tilespmem:s17], [sflag:$0x1] =	stream.linear.gather @!p0 [hbm4b:s6+s16], $0x80, $0x38;
	[tilespmem:$0x3F40] =	vst v63  }
0x15: {  	s16 =	simm.s32 @!p0 $0x1  }
0x16: {  	_ =	swait.ge @!p0 [sflag:s16], $0x80  }
0x17: {  	[sflag:s16] =	ssyncset.done @!p0 $0x0  }
0x18: {  	[sflag:s16] =	ssyncadd.s32 @!p0 $0xFFFFFF80  }
0x19: {  	[tilespmem:s11], [sflag:$0x1] =	stream.linear.gather [hbm4b:s2+s4], $0x400, $0x38;
	[tilespmem:$0x3F40] =	vst v63  }
0x1a: {  	_ =	swait.ge [sflag:s10], $0x400  }
0x1b: {  	[sflag:s10] =	ssyncset.done $0x0  }
0x1c: {  	[sflag:s10] =	ssyncadd.s32 $0xFFFFFC00  }
0x1d: {  	[spmem:s13], [sflag:s12] =	dma.local [hbm:s7], $0x278  }
0x1e: {  	_ =	swait.ge [sflag:s10], $0x278  }
0x1f: {  	[sflag:s10] =	ssyncset.done $0x0  }
0x20: {  	[sflag:s10] =	ssyncadd.s32 $0xFFFFFD88  }
0x21: {  	s31 =	simm.s32 $0x0;
	[bflag:$0x0] =	sbarrier.arrive $0xFFFF  }
0x22: {  	[spmem:s3] =	stream.indirect.scatter.add.s16 [tilespmem:s11], [sflag:$0x1], $0x8, s31, s14, $0xb8;
	[tilespmem:$0x3F40] =	vst v63  }
0x23: {  	_ =	swait.ge [sflag:s10], $0x400  }
0x24: {  	s16 =	simm.s32 $0x200;
	[sflag:s10] =	ssyncset.done $0x0  }
.LBB2_2:
0x25: {  	s17 =	sshra.s32 s16, $0x2;
	[sflag:s10] =	ssyncadd.s32 $0xFFFFFC00;
	p1 =	sne.s32 s16, $0x9A00  }
0x26: {  	[spmem:s3] =	stream.indirect.scatter.add.s16 [tilespmem:s11], [sflag:$0x1], $0x8, s17, s14, $0xb8;
	[tilespmem:$0x3F40] =	vst v63  }
.Ltmp0:
0x27: {  	_ = 	snop;
	(pc) =	sbr.rel @p1 .LBB2_2-.Ltmp0, $4  }
0x28: {  	_ = 	snop  }
0x29: {  	s16 =	sadd.s32 $0x200, s16  }
0x2a: {  	_ =	swait.ge [sflag:s10], $0x400  }
0x2b: {  	[sflag:s10] =	ssyncset.done $0x0  }
0x2c: {  	[sflag:s10] =	ssyncadd.s32 $0xFFFFFC00  }
0x2d: {  	s16 =	simm.s32 @!p0 $0x80;
	s17 =	simm.s32 @!p0 $0x2700;
	s18 =	simm.s32 @!p0 $0x2780  }
0x2e: {  	[spmem:s3] =	stream.indirect.scatter.add.s16 @!p0 [tilespmem:s18], [sflag:$0x1], $0x8, s17, s16, $0xb8;
	[tilespmem:$0x3F40] =	vst v63  }
0x2f: {  	s16 =	simm.s32 @!p0 $0x1  }
0x30: {  	_ =	swait.ge @!p0 [sflag:s16], $0x400  }
0x31: {  	s15 =	sadd.s32 $0x1, s15;
	[sflag:s16] =	ssyncset.done @!p0 $0x0  }
0x32: {  	p1 =	sne.s32 s15, s9;
	[sflag:s16] =	ssyncadd.s32 @!p0 $0xFFFFFC00  }
.Ltmp1:
0x33: {  	[bflag:$0x0] =	sbarrier.arrive $0xFFFF;
	(pc) =	sbr.rel @p1 .LBB2_1-.Ltmp1, $4  }
0x34: {  	[hbm:s8], [sflag:s12] =	dma.local [spmem:s13], $0x278  }
0x35: {  	_ =	swait.ge [sflag:s10], $0x278  }
0x36: {  	[sflag:s10] =	ssyncset.done $0x0  }
0x37: {  	[sflag:s10] =	ssyncadd.s32 $0xFFFFFD88  }
0x38: {  	_ =	sfence.sel $0x180000  }
0x39: {  	[bflag:$0x0] =	sbarrier.arrive $0xFFFF  }
0x3a: {  	p0 =	sne.s32 s0, $0x0;
	_ =	strace $0x90000047  }
0x3b: {  	s0 =	sadd.s32 @!p0 $0x100000, s1;
	[bflag:$0x2] =	sbarrier.arrive $0xFFFF  }
0x3c: {  	[sflag:s0] =	ssyncadd.tile.s32 @!p0 $0x1;
	_ =	shalt  }
.Lfunc_end2:
_tile_overlayer_lowered:
.L_overlay_start_2:
0x3d: {  	(tag) =	ssettag $0x2  }
0x3e: {  	s0 =	rddreg [dreg:$0x0];
	s2 =	stileid.u32  }
0x3f: {  	s1 =	rddreg [dreg:$0x1];
	p0 =	sne.s32 s2, $0x0  }
0x40: {  	s3 =	rddreg [dreg:$0x2];
	[bflag:$0x3] =	sbarrier.arrive $0xFFFF;
	s2 =	simm.s32 @!p0 $0x1C01  }
0x41: {  	[timem:s3], [sflag:s2] =	dma.local @!p0 [hbm:s0], s1  }
0x42: {  	s0 =	simm.s32 @!p0 $0x1  }
0x43: {  	_ =	swait.ge @!p0 [sflag:s0], s1  }
0x44: {  	s1 =	ssub.s32 @!p0 $0x0, s1;
	[sflag:s0] =	ssyncset.done @!p0 $0x0  }
0x45: {  	[sflag:s0] =	ssyncadd.s32 @!p0 s1  }
0x46: {  	[bflag:$0x3] =	sbarrier.arrive $0xFFFF  }
0x47: {  	_ =	shalt  }

</sc_bundles>
